<compile_context>
chip_gen: v7x
topology: tpu7x:2x2x1
jax: 0.10.2.dev20260603
libtpu: 0.0.44.dev20260713+nightly
codegen_flags: <defaults>
</compile_context>

<pallas_src>
import jax
import jax.numpy as jnp
from jax import lax
from jax.experimental import pallas as pl
from jax.experimental.pallas import tpu as pltpu
from jax.experimental.pallas import tpu_sc as plsc

NH = 16
S = 32
N_TOK = S * S


def _sc_body(g_hbm, out_hbm, t_v, buf0, buf1, sem0, sem1):
    n = lax.axis_index("s")
    half = lax.axis_index("c")

    pltpu.sync_copy(g_hbm.at[n], t_v)

    iota = lax.iota(jnp.int32, 16)

    H16 = S // 2

    def compute_chunk(h1, buf, sem):
        a_base = 31 - h1
        a_vecs = [plsc.load_gather(t_v, [jnp.full((16,), a_base + h2,
                                                  jnp.int32)])
                  for h2 in range(S)]

        def w1_body(w1, carry):
            idx = (95 - w1) + iota
            b0 = plsc.load_gather(t_v, [idx])
            b1 = plsc.load_gather(t_v, [idx + 16])
            for h2 in range(S):
                buf[w1, pl.ds(32 * h2, 16)] = b0 + a_vecs[h2]
                buf[w1, pl.ds(32 * h2 + 16, 16)] = b1 + a_vecs[h2]

            @pl.when(w1 == H16 - 1)
            def _():
                pltpu.async_copy(
                    buf.at[pl.ds(0, H16)],
                    out_hbm.at[n, pl.ds(32 * h1, H16), :], sem)

            return carry

        lax.fori_loop(0, S, w1_body, 0)
        pltpu.async_copy(buf.at[pl.ds(H16, H16)],
                         out_hbm.at[n, pl.ds(32 * h1 + H16, H16), :], sem)

    def wait_chunk(h1, buf, sem):
        pltpu.make_async_copy(
            buf, out_hbm.at[n, pl.ds(32 * h1, S), :], sem).wait()

    def cc_body(cc, carry):
        h1a = 16 * half + 2 * cc
        h1b = h1a + 1

        @pl.when(cc > 0)
        def _():
            wait_chunk(h1a - 2, buf0, sem0)

        compute_chunk(h1a, buf0, sem0)

        @pl.when(cc > 0)
        def _():
            wait_chunk(h1b - 2, buf1, sem1)

        compute_chunk(h1b, buf1, sem1)
        return carry

    lax.fori_loop(0, 8, cc_body, 0)

    tail = 16 * half + 14
    wait_chunk(tail, buf0, sem0)
    wait_chunk(tail + 1, buf1, sem1)


@jax.jit
def _bias_sc(g):
    mesh = plsc.VectorSubcoreMesh(core_axis_name="c", subcore_axis_name="s")
    return pl.kernel(
        _sc_body,
        mesh=mesh,
        out_type=jax.ShapeDtypeStruct((NH, N_TOK, N_TOK), jnp.float32),
        scratch_types=[
            pltpu.VMEM((4 * S,), jnp.float32),
            pltpu.VMEM((S, N_TOK), jnp.float32),
            pltpu.VMEM((S, N_TOK), jnp.float32),
            pltpu.SemaphoreType.DMA,
            pltpu.SemaphoreType.DMA,
        ],
        compiler_params=pltpu.CompilerParams(needs_layout_passes=False),
    )(g)


def kernel(rel_h, rel_w, H, W):
    fh = jnp.pad(jnp.flip(rel_h, axis=0).T, ((0, 0), (0, 1)))
    fw = jnp.pad(jnp.flip(rel_w, axis=0).T, ((0, 0), (0, 1)))
    return _bias_sc(jnp.concatenate([fh, fw], axis=1))

# --- scband reference (transcript-rebuilt; emitter-appended) ---
"""Pipeline reference for scband-learnable-rel-pos2-d-16896401343259 (READ-ONLY COPY).

The authoritative reference and input builder live on the scoring server;
editing this copy changes nothing except your own understanding.
"""

import jax, jax.numpy as jnp
import numpy as np

NUM_HEADS = 16
HEIGHT = 32
WIDTH = 32


def setup_inputs(seed: int = 0) -> dict:
    key = jax.random.key(seed)
    k1, k2 = jax.random.split(key)
    rel_h = jax.random.truncated_normal(k1, -2.0, 2.0, (2 * HEIGHT - 1, NUM_HEADS), jnp.float32) * 0.02
    rel_w = jax.random.truncated_normal(k2, -2.0, 2.0, (2 * WIDTH - 1, NUM_HEADS), jnp.float32) * 0.02
    return {"rel_h": rel_h, "rel_w": rel_w, "H": 32, "W": 32}


def reference(rel_h, rel_w, H, W):
    Hs = (rel_h.shape[0] + 1) // 2
    Ws = (rel_w.shape[0] + 1) // 2
    coords_h = jnp.arange(Hs) + (H - Hs)
    coords_w = jnp.arange(Ws) + (W - Ws)
    ch, cw = jnp.meshgrid(coords_h, coords_w, indexing='ij')
    coords = jnp.stack([ch, cw])
    coords_flatten = coords.reshape(2, -1)
    rel_coords = coords_flatten[:, :, None] - coords_flatten[:, None, :]
    rel0 = rel_coords[0] + (HEIGHT - 1)
    rel1 = rel_coords[1] + (WIDTH - 1)
    rh = jnp.take(rel_h, rel0, axis=0)
    rw = jnp.take(rel_w, rel1, axis=0)
    bias = rh + rw
    return jnp.transpose(bias, (2, 0, 1))

if __name__ == "__main__":
    import jax
    _d = setup_inputs()
    print(jax.jit(kernel)(*tuple(_d.values())))

</pallas_src>

<mosaic_0001>
#map = affine_map<(d0, d1) -> (0, 0)>
#map1 = affine_map<(d0, d1) -> (0, 0, 0)>
module attributes {stable_mosaic.version = 14 : i64} {
  func.func @_sc_body(%arg0: i32, %arg1: i32, %arg2: memref<16x128xf32, #tpu.memory_space<hbm>>, %arg3: memref<16x1024x1024xf32, #tpu.memory_space<hbm>>, %arg4: memref<128xf32, #tpu.memory_space<vmem>>, %arg5: memref<32x1024xf32, #tpu.memory_space<vmem>>, %arg6: memref<32x1024xf32, #tpu.memory_space<vmem>>, %arg7: memref<!tpu.dma_semaphore, #tpu.memory_space<semaphore_mem>>, %arg8: memref<!tpu.dma_semaphore, #tpu.memory_space<semaphore_mem>>) attributes {dimension_semantics = [#tpu.dimension_semantics<core_parallel>, #tpu.dimension_semantics<subcore_parallel>], iteration_bounds = array<i64: 2, 16>, scalar_prefetch = 0 : i64, scratch_operands = 5 : i64, tpu.core_type = #tpu.core_type<sc_vector_subcore>, window_params = [{transform_indices = #map}, {transform_indices = #map1}]} {
    "tpu.region"() ({
      %run_scoped3A = tpu.sem_alloc : memref<!tpu.dma_semaphore, #tpu.memory_space<semaphore_mem>>
      %dma_start3A = arith.constant 0 : i32
      %dma_start3A_24 = tpu.memref_slice %arg2[%arg1, %dma_start3A] : memref<16x128xf32, #tpu.memory_space<hbm>> -> memref<1x128xf32, #tpu.memory_space<hbm>>
      %dma_start3A_25 = tpu.memref_squeeze %dma_start3A_24 : memref<1x128xf32, #tpu.memory_space<hbm>> -> memref<128xf32, #tpu.memory_space<hbm>>
      %dma_start3A_26 = arith.constant 0 : i32
      %dma_start3A_27 = tpu.memref_slice %arg2[%arg1, %dma_start3A_26] : memref<16x128xf32, #tpu.memory_space<hbm>> -> memref<1x128xf32, #tpu.memory_space<hbm>>
      %dma_start3A_28 = tpu.memref_squeeze %dma_start3A_27 : memref<1x128xf32, #tpu.memory_space<hbm>> -> memref<128xf32, #tpu.memory_space<hbm>>
      tpu.enqueue_dma source(%dma_start3A_28 : memref<128xf32, #tpu.memory_space<hbm>>) target(%arg4 : memref<128xf32, #tpu.memory_space<vmem>>) target_semaphore(%run_scoped3A : memref<!tpu.dma_semaphore, #tpu.memory_space<semaphore_mem>>)
      %dma_wait3A_29 = arith.constant 0 : i32
      %dma_wait3A_30 = tpu.memref_slice %arg2[%arg1, %dma_wait3A_29] : memref<16x128xf32, #tpu.memory_space<hbm>> -> memref<1x128xf32, #tpu.memory_space<hbm>>
      %dma_wait3A_31 = tpu.memref_squeeze %dma_wait3A_30 : memref<1x128xf32, #tpu.memory_space<hbm>> -> memref<128xf32, #tpu.memory_space<hbm>>
      %dma_wait3A_32 = arith.constant 0 : i32
      %dma_wait3A_33 = tpu.memref_slice %arg2[%arg1, %dma_wait3A_32] : memref<16x128xf32, #tpu.memory_space<hbm>> -> memref<1x128xf32, #tpu.memory_space<hbm>>
      %dma_wait3A_34 = tpu.memref_squeeze %dma_wait3A_33 : memref<1x128xf32, #tpu.memory_space<hbm>> -> memref<128xf32, #tpu.memory_space<hbm>>
      tpu.wait_dma2 semaphore(%run_scoped3A : memref<!tpu.dma_semaphore, #tpu.memory_space<semaphore_mem>>) src(%dma_wait3A_34 : memref<128xf32, #tpu.memory_space<hbm>>) dst(%arg4 : memref<128xf32, #tpu.memory_space<vmem>>)
      tpu.yield
    }) : () -> ()
    %iota3A = tpu.iota {dimensions = array<i32: 0>} : vector<16xi32>
    %scan3A = arith.constant 0 : i32
    %scan3A_0 = arith.constant 0 : i32
    %scan3A_1 = arith.constant 8 : i32
    %scan3A_2 = arith.addi %scan3A_0, %scan3A_1 : i32
    %scan3A_3 = arith.constant 1 : i32
    scf.for %scan3A_24 = %scan3A_0 to %scan3A_2 step %scan3A_3  : i32 {
      %mul3A_25 = arith.constant 16 : i32
      %mul3A_26 = arith.muli %mul3A_25, %arg0 : i32
      %mul3A_27 = arith.constant 2 : i32
      %mul3A_28 = arith.muli %mul3A_27, %scan3A_24 : i32
      %add3A_29 = arith.addi %mul3A_26, %mul3A_28 : i32
      %add3A_30 = arith.constant 1 : i32
      %add3A_31 = arith.addi %add3A_29, %add3A_30 : i32
      %gt3A = arith.constant 0 : i32
      %gt3A_32 = arith.cmpi sgt, %scan3A_24, %gt3A : i32
      %convert_element_type3A = arith.extui %gt3A_32 : i1 to i32
      %cond3A = arith.constant 0 : i32
      %cond3A_33 = arith.cmpi ne, %convert_element_type3A, %cond3A : i32
      scf.if %cond3A_33 {
        %sub3A_339 = arith.constant 2 : i32
        %sub3A_340 = arith.subi %add3A_29, %sub3A_339 : i32
        %mul3A_341 = arith.constant 32 : i32
        %mul3A_342 = arith.muli %mul3A_341, %sub3A_340 : i32
        %dma_wait3A_343 = arith.constant 0 : i32
        %dma_wait3A_344 = tpu.memref_slice %arg3[%arg1, %mul3A_342, %dma_wait3A_343] : memref<16x1024x1024xf32, #tpu.memory_space<hbm>> -> memref<1x32x1024xf32, #tpu.memory_space<hbm>>
        %dma_wait3A_345 = tpu.memref_squeeze %dma_wait3A_344 : memref<1x32x1024xf32, #tpu.memory_space<hbm>> -> memref<32x1024xf32, #tpu.memory_space<hbm>>
        %dma_wait3A_346 = arith.constant 0 : i32
        %dma_wait3A_347 = tpu.memref_slice %arg3[%arg1, %mul3A_342, %dma_wait3A_346] : memref<16x1024x1024xf32, #tpu.memory_space<hbm>> -> memref<1x32x1024xf32, #tpu.memory_space<hbm>>
        %dma_wait3A_348 = tpu.memref_squeeze %dma_wait3A_347 : memref<1x32x1024xf32, #tpu.memory_space<hbm>> -> memref<32x1024xf32, #tpu.memory_space<hbm>>
        tpu.wait_dma2 semaphore(%arg7 : memref<!tpu.dma_semaphore, #tpu.memory_space<semaphore_mem>>) src(%arg5 : memref<32x1024xf32, #tpu.memory_space<vmem>>) dst(%dma_wait3A_348 : memref<32x1024xf32, #tpu.memory_space<hbm>>)
      } else {
      }
      %sub3A = arith.constant 31 : i32
      %sub3A_34 = arith.subi %sub3A, %add3A_29 : i32
      %add3A_35 = arith.constant 0 : i32
      %add3A_36 = arith.addi %sub3A_34, %add3A_35 : i32
      %broadcast_in_dim3A = vector.broadcast %add3A_36 : i32 to vector<16xi32>
      %gather3A = tpu.vector_load_idx %arg4[%broadcast_in_dim3A] : memref<128xf32, #tpu.memory_space<vmem>>[vector<16xi32>], vector<16xf32>,
      %add3A_37 = arith.constant 1 : i32
      %add3A_38 = arith.addi %sub3A_34, %add3A_37 : i32
      %broadcast_in_dim3A_39 = vector.broadcast %add3A_38 : i32 to vector<16xi32>
      %gather3A_40 = tpu.vector_load_idx %arg4[%broadcast_in_dim3A_39] : memref<128xf32, #tpu.memory_space<vmem>>[vector<16xi32>], vector<16xf32>,
      %add3A_41 = arith.constant 2 : i32
      %add3A_42 = arith.addi %sub3A_34, %add3A_41 : i32
      %broadcast_in_dim3A_43 = vector.broadcast %add3A_42 : i32 to vector<16xi32>
      %gather3A_44 = tpu.vector_load_idx %arg4[%broadcast_in_dim3A_43] : memref<128xf32, #tpu.memory_space<vmem>>[vector<16xi32>], vector<16xf32>,
      %add3A_45 = arith.constant 3 : i32
      %add3A_46 = arith.addi %sub3A_34, %add3A_45 : i32
      %broadcast_in_dim3A_47 = vector.broadcast %add3A_46 : i32 to vector<16xi32>
      %gather3A_48 = tpu.vector_load_idx %arg4[%broadcast_in_dim3A_47] : memref<128xf32, #tpu.memory_space<vmem>>[vector<16xi32>], vector<16xf32>,
      %add3A_49 = arith.constant 4 : i32
      %add3A_50 = arith.addi %sub3A_34, %add3A_49 : i32
      %broadcast_in_dim3A_51 = vector.broadcast %add3A_50 : i32 to vector<16xi32>
      %gather3A_52 = tpu.vector_load_idx %arg4[%broadcast_in_dim3A_51] : memref<128xf32, #tpu.memory_space<vmem>>[vector<16xi32>], vector<16xf32>,
      %add3A_53 = arith.constant 5 : i32
      %add3A_54 = arith.addi %sub3A_34, %add3A_53 : i32
      %broadcast_in_dim3A_55 = vector.broadcast %add3A_54 : i32 to vector<16xi32>
      %gather3A_56 = tpu.vector_load_idx %arg4[%broadcast_in_dim3A_55] : memref<128xf32, #tpu.memory_space<vmem>>[vector<16xi32>], vector<16xf32>,
      %add3A_57 = arith.constant 6 : i32
      %add3A_58 = arith.addi %sub3A_34, %add3A_57 : i32
      %broadcast_in_dim3A_59 = vector.broadcast %add3A_58 : i32 to vector<16xi32>
      %gather3A_60 = tpu.vector_load_idx %arg4[%broadcast_in_dim3A_59] : memref<128xf32, #tpu.memory_space<vmem>>[vector<16xi32>], vector<16xf32>,
      %add3A_61 = arith.constant 7 : i32
      %add3A_62 = arith.addi %sub3A_34, %add3A_61 : i32
      %broadcast_in_dim3A_63 = vector.broadcast %add3A_62 : i32 to vector<16xi32>
      %gather3A_64 = tpu.vector_load_idx %arg4[%broadcast_in_dim3A_63] : memref<128xf32, #tpu.memory_space<vmem>>[vector<16xi32>], vector<16xf32>,
      %add3A_65 = arith.constant 8 : i32
      %add3A_66 = arith.addi %sub3A_34, %add3A_65 : i32
      %broadcast_in_dim3A_67 = vector.broadcast %add3A_66 : i32 to vector<16xi32>
      %gather3A_68 = tpu.vector_load_idx %arg4[%broadcast_in_dim3A_67] : memref<128xf32, #tpu.memory_space<vmem>>[vector<16xi32>], vector<16xf32>,
      %add3A_69 = arith.constant 9 : i32
      %add3A_70 = arith.addi %sub3A_34, %add3A_69 : i32
      %broadcast_in_dim3A_71 = vector.broadcast %add3A_70 : i32 to vector<16xi32>
      %gather3A_72 = tpu.vector_load_idx %arg4[%broadcast_in_dim3A_71] : memref<128xf32, #tpu.memory_space<vmem>>[vector<16xi32>], vector<16xf32>,
      %add3A_73 = arith.constant 10 : i32
      %add3A_74 = arith.addi %sub3A_34, %add3A_73 : i32
      %broadcast_in_dim3A_75 = vector.broadcast %add3A_74 : i32 to vector<16xi32>
      %gather3A_76 = tpu.vector_load_idx %arg4[%broadcast_in_dim3A_75] : memref<128xf32, #tpu.memory_space<vmem>>[vector<16xi32>], vector<16xf32>,
      %add3A_77 = arith.constant 11 : i32
      %add3A_78 = arith.addi %sub3A_34, %add3A_77 : i32
      %broadcast_in_dim3A_79 = vector.broadcast %add3A_78 : i32 to vector<16xi32>
      %gather3A_80 = tpu.vector_load_idx %arg4[%broadcast_in_dim3A_79] : memref<128xf32, #tpu.memory_space<vmem>>[vector<16xi32>], vector<16xf32>,
      %add3A_81 = arith.constant 12 : i32
      %add3A_82 = arith.addi %sub3A_34, %add3A_81 : i32
      %broadcast_in_dim3A_83 = vector.broadcast %add3A_82 : i32 to vector<16xi32>
      %gather3A_84 = tpu.vector_load_idx %arg4[%broadcast_in_dim3A_83] : memref<128xf32, #tpu.memory_space<vmem>>[vector<16xi32>], vector<16xf32>,
      %add3A_85 = arith.constant 13 : i32
      %add3A_86 = arith.addi %sub3A_34, %add3A_85 : i32
      %broadcast_in_dim3A_87 = vector.broadcast %add3A_86 : i32 to vector<16xi32>
      %gather3A_88 = tpu.vector_load_idx %arg4[%broadcast_in_dim3A_87] : memref<128xf32, #tpu.memory_space<vmem>>[vector<16xi32>], vector<16xf32>,
      %add3A_89 = arith.constant 14 : i32
      %add3A_90 = arith.addi %sub3A_34, %add3A_89 : i32
      %broadcast_in_dim3A_91 = vector.broadcast %add3A_90 : i32 to vector<16xi32>
      %gather3A_92 = tpu.vector_load_idx %arg4[%broadcast_in_dim3A_91] : memref<128xf32, #tpu.memory_space<vmem>>[vector<16xi32>], vector<16xf32>,
      %add3A_93 = arith.constant 15 : i32
      %add3A_94 = arith.addi %sub3A_34, %add3A_93 : i32
      %broadcast_in_dim3A_95 = vector.broadcast %add3A_94 : i32 to vector<16xi32>
      %gather3A_96 = tpu.vector_load_idx %arg4[%broadcast_in_dim3A_95] : memref<128xf32, #tpu.memory_space<vmem>>[vector<16xi32>], vector<16xf32>,
      %add3A_97 = arith.constant 16 : i32
      %add3A_98 = arith.addi %sub3A_34, %add3A_97 : i32
      %broadcast_in_dim3A_99 = vector.broadcast %add3A_98 : i32 to vector<16xi32>
      %gather3A_100 = tpu.vector_load_idx %arg4[%broadcast_in_dim3A_99] : memref<128xf32, #tpu.memory_space<vmem>>[vector<16xi32>], vector<16xf32>,
      %add3A_101 = arith.constant 17 : i32
      %add3A_102 = arith.addi %sub3A_34, %add3A_101 : i32
      %broadcast_in_dim3A_103 = vector.broadcast %add3A_102 : i32 to vector<16xi32>
      %gather3A_104 = tpu.vector_load_idx %arg4[%broadcast_in_dim3A_103] : memref<128xf32, #tpu.memory_space<vmem>>[vector<16xi32>], vector<16xf32>,
      %add3A_105 = arith.constant 18 : i32
      %add3A_106 = arith.addi %sub3A_34, %add3A_105 : i32
      %broadcast_in_dim3A_107 = vector.broadcast %add3A_106 : i32 to vector<16xi32>
      %gather3A_108 = tpu.vector_load_idx %arg4[%broadcast_in_dim3A_107] : memref<128xf32, #tpu.memory_space<vmem>>[vector<16xi32>], vector<16xf32>,
      %add3A_109 = arith.constant 19 : i32
      %add3A_110 = arith.addi %sub3A_34, %add3A_109 : i32
      %broadcast_in_dim3A_111 = vector.broadcast %add3A_110 : i32 to vector<16xi32>
      %gather3A_112 = tpu.vector_load_idx %arg4[%broadcast_in_dim3A_111] : memref<128xf32, #tpu.memory_space<vmem>>[vector<16xi32>], vector<16xf32>,
      %add3A_113 = arith.constant 20 : i32
      %add3A_114 = arith.addi %sub3A_34, %add3A_113 : i32
      %broadcast_in_dim3A_115 = vector.broadcast %add3A_114 : i32 to vector<16xi32>
      %gather3A_116 = tpu.vector_load_idx %arg4[%broadcast_in_dim3A_115] : memref<128xf32, #tpu.memory_space<vmem>>[vector<16xi32>], vector<16xf32>,
      %add3A_117 = arith.constant 21 : i32
      %add3A_118 = arith.addi %sub3A_34, %add3A_117 : i32
      %broadcast_in_dim3A_119 = vector.broadcast %add3A_118 : i32 to vector<16xi32>
      %gather3A_120 = tpu.vector_load_idx %arg4[%broadcast_in_dim3A_119] : memref<128xf32, #tpu.memory_space<vmem>>[vector<16xi32>], vector<16xf32>,
      %add3A_121 = arith.constant 22 : i32
      %add3A_122 = arith.addi %sub3A_34, %add3A_121 : i32
      %broadcast_in_dim3A_123 = vector.broadcast %add3A_122 : i32 to vector<16xi32>
      %gather3A_124 = tpu.vector_load_idx %arg4[%broadcast_in_dim3A_123] : memref<128xf32, #tpu.memory_space<vmem>>[vector<16xi32>], vector<16xf32>,
      %add3A_125 = arith.constant 23 : i32
      %add3A_126 = arith.addi %sub3A_34, %add3A_125 : i32
      %broadcast_in_dim3A_127 = vector.broadcast %add3A_126 : i32 to vector<16xi32>
      %gather3A_128 = tpu.vector_load_idx %arg4[%broadcast_in_dim3A_127] : memref<128xf32, #tpu.memory_space<vmem>>[vector<16xi32>], vector<16xf32>,
      %add3A_129 = arith.constant 24 : i32
      %add3A_130 = arith.addi %sub3A_34, %add3A_129 : i32
      %broadcast_in_dim3A_131 = vector.broadcast %add3A_130 : i32 to vector<16xi32>
      %gather3A_132 = tpu.vector_load_idx %arg4[%broadcast_in_dim3A_131] : memref<128xf32, #tpu.memory_space<vmem>>[vector<16xi32>], vector<16xf32>,
      %add3A_133 = arith.constant 25 : i32
      %add3A_134 = arith.addi %sub3A_34, %add3A_133 : i32
      %broadcast_in_dim3A_135 = vector.broadcast %add3A_134 : i32 to vector<16xi32>
      %gather3A_136 = tpu.vector_load_idx %arg4[%broadcast_in_dim3A_135] : memref<128xf32, #tpu.memory_space<vmem>>[vector<16xi32>], vector<16xf32>,
      %add3A_137 = arith.constant 26 : i32
      %add3A_138 = arith.addi %sub3A_34, %add3A_137 : i32
      %broadcast_in_dim3A_139 = vector.broadcast %add3A_138 : i32 to vector<16xi32>
      %gather3A_140 = tpu.vector_load_idx %arg4[%broadcast_in_dim3A_139] : memref<128xf32, #tpu.memory_space<vmem>>[vector<16xi32>], vector<16xf32>,
      %add3A_141 = arith.constant 27 : i32
      %add3A_142 = arith.addi %sub3A_34, %add3A_141 : i32
      %broadcast_in_dim3A_143 = vector.broadcast %add3A_142 : i32 to vector<16xi32>
      %gather3A_144 = tpu.vector_load_idx %arg4[%broadcast_in_dim3A_143] : memref<128xf32, #tpu.memory_space<vmem>>[vector<16xi32>], vector<16xf32>,
      %add3A_145 = arith.constant 28 : i32
      %add3A_146 = arith.addi %sub3A_34, %add3A_145 : i32
      %broadcast_in_dim3A_147 = vector.broadcast %add3A_146 : i32 to vector<16xi32>
      %gather3A_148 = tpu.vector_load_idx %arg4[%broadcast_in_dim3A_147] : memref<128xf32, #tpu.memory_space<vmem>>[vector<16xi32>], vector<16xf32>,
      %add3A_149 = arith.constant 29 : i32
      %add3A_150 = arith.addi %sub3A_34, %add3A_149 : i32
      %broadcast_in_dim3A_151 = vector.broadcast %add3A_150 : i32 to vector<16xi32>
      %gather3A_152 = tpu.vector_load_idx %arg4[%broadcast_in_dim3A_151] : memref<128xf32, #tpu.memory_space<vmem>>[vector<16xi32>], vector<16xf32>,
      %add3A_153 = arith.constant 30 : i32
      %add3A_154 = arith.addi %sub3A_34, %add3A_153 : i32
      %broadcast_in_dim3A_155 = vector.broadcast %add3A_154 : i32 to vector<16xi32>
      %gather3A_156 = tpu.vector_load_idx %arg4[%broadcast_in_dim3A_155] : memref<128xf32, #tpu.memory_space<vmem>>[vector<16xi32>], vector<16xf32>,
      %add3A_157 = arith.constant 31 : i32
      %add3A_158 = arith.addi %sub3A_34, %add3A_157 : i32
      %broadcast_in_dim3A_159 = vector.broadcast %add3A_158 : i32 to vector<16xi32>
      %gather3A_160 = tpu.vector_load_idx %arg4[%broadcast_in_dim3A_159] : memref<128xf32, #tpu.memory_space<vmem>>[vector<16xi32>], vector<16xf32>,
      %scan3A_161 = arith.constant 0 : i32
      %scan3A_162 = arith.constant 0 : i32
      %scan3A_163 = arith.constant 32 : i32
      %scan3A_164 = arith.addi %scan3A_162, %scan3A_163 : i32
      %scan3A_165 = arith.constant 1 : i32
      scf.for %scan3A_339 = %scan3A_162 to %scan3A_164 step %scan3A_165  : i32 {
        %sub3A_340 = arith.constant 95 : i32
        %sub3A_341 = arith.subi %sub3A_340, %scan3A_339 : i32
        %add3A_342 = vector.broadcast %sub3A_341 : i32 to vector<16xi32>
        %add3A_343 = arith.addi %add3A_342, %iota3A : vector<16xi32>
        %gather3A_344 = tpu.vector_load_idx %arg4[%add3A_343] : memref<128xf32, #tpu.memory_space<vmem>>[vector<16xi32>], vector<16xf32>,
        %add3A_345 = arith.constant 16 : i32
        %add3A_346 = vector.broadcast %add3A_345 : i32 to vector<16xi32>
        %add3A_347 = arith.addi %add3A_343, %add3A_346 : vector<16xi32>
        %gather3A_348 = tpu.vector_load_idx %arg4[%add3A_347] : memref<128xf32, #tpu.memory_space<vmem>>[vector<16xi32>], vector<16xf32>,
        %add3A_349 = arith.addf %gather3A_344, %gather3A : vector<16xf32>
        %swap3A = arith.index_cast %scan3A_339 : i32 to index
        %swap3A_350 = arith.constant 0 : index
        %swap3A_351 = tpu.vector_load %arg5[%swap3A, %swap3A_350] {strides = array<i32>} : memref<32x1024xf32, #tpu.memory_space<vmem>>, vector<16xf32>,
        tpu.vector_store %arg5[%swap3A, %swap3A_350], %add3A_349 {strides = array<i32>} : memref<32x1024xf32, #tpu.memory_space<vmem>>, vector<16xf32>,
        %add3A_352 = arith.addf %gather3A_348, %gather3A : vector<16xf32>
        %swap3A_353 = arith.index_cast %scan3A_339 : i32 to index
        %swap3A_354 = arith.constant 16 : index
        %swap3A_355 = tpu.vector_load %arg5[%swap3A_353, %swap3A_354] {strides = array<i32>} : memref<32x1024xf32, #tpu.memory_space<vmem>>, vector<16xf32>,
        tpu.vector_store %arg5[%swap3A_353, %swap3A_354], %add3A_352 {strides = array<i32>} : memref<32x1024xf32, #tpu.memory_space<vmem>>, vector<16xf32>,
        %add3A_356 = arith.addf %gather3A_344, %gather3A_40 : vector<16xf32>
        %swap3A_357 = arith.index_cast %scan3A_339 : i32 to index
        %swap3A_358 = arith.constant 32 : index
        %swap3A_359 = tpu.vector_load %arg5[%swap3A_357, %swap3A_358] {strides = array<i32>} : memref<32x1024xf32, #tpu.memory_space<vmem>>, vector<16xf32>,
        tpu.vector_store %arg5[%swap3A_357, %swap3A_358], %add3A_356 {strides = array<i32>} : memref<32x1024xf32, #tpu.memory_space<vmem>>, vector<16xf32>,
        %add3A_360 = arith.addf %gather3A_348, %gather3A_40 : vector<16xf32>
        %swap3A_361 = arith.index_cast %scan3A_339 : i32 to index
        %swap3A_362 = arith.constant 48 : index
        %swap3A_363 = tpu.vector_load %arg5[%swap3A_361, %swap3A_362] {strides = array<i32>} : memref<32x1024xf32, #tpu.memory_space<vmem>>, vector<16xf32>,
        tpu.vector_store %arg5[%swap3A_361, %swap3A_362], %add3A_360 {strides = array<i32>} : memref<32x1024xf32, #tpu.memory_space<vmem>>, vector<16xf32>,
        %add3A_364 = arith.addf %gather3A_344, %gather3A_44 : vector<16xf32>
        %swap3A_365 = arith.index_cast %scan3A_339 : i32 to index
        %swap3A_366 = arith.constant 64 : index
        %swap3A_367 = tpu.vector_load %arg5[%swap3A_365, %swap3A_366] {strides = array<i32>} : memref<32x1024xf32, #tpu.memory_space<vmem>>, vector<16xf32>,
        tpu.vector_store %arg5[%swap3A_365, %swap3A_366], %add3A_364 {strides = array<i32>} : memref<32x1024xf32, #tpu.memory_space<vmem>>, vector<16xf32>,
        %add3A_368 = arith.addf %gather3A_348, %gather3A_44 : vector<16xf32>
        %swap3A_369 = arith.index_cast %scan3A_339 : i32 to index
        %swap3A_370 = arith.constant 80 : index
        %swap3A_371 = tpu.vector_load %arg5[%swap3A_369, %swap3A_370] {strides = array<i32>} : memref<32x1024xf32, #tpu.memory_space<vmem>>, vector<16xf32>,
        tpu.vector_store %arg5[%swap3A_369, %swap3A_370], %add3A_368 {strides = array<i32>} : memref<32x1024xf32, #tpu.memory_space<vmem>>, vector<16xf32>,
        %add3A_372 = arith.addf %gather3A_344, %gather3A_48 : vector<16xf32>
        %swap3A_373 = arith.index_cast %scan3A_339 : i32 to index
        %swap3A_374 = arith.constant 96 : index
        %swap3A_375 = tpu.vector_load %arg5[%swap3A_373, %swap3A_374] {strides = array<i32>} : memref<32x1024xf32, #tpu.memory_space<vmem>>, vector<16xf32>,
        tpu.vector_store %arg5[%swap3A_373, %swap3A_374], %add3A_372 {strides = array<i32>} : memref<32x1024xf32, #tpu.memory_space<vmem>>, vector<16xf32>,
        %add3A_376 = arith.addf %gather3A_348, %gather3A_48 : vector<16xf32>
        %swap3A_377 = arith.index_cast %scan3A_339 : i32 to index
        %swap3A_378 = arith.constant 112 : index
        %swap3A_379 = tpu.vector_load %arg5[%swap3A_377, %swap3A_378] {strides = array<i32>} : memref<32x1024xf32, #tpu.memory_space<vmem>>, vector<16xf32>,
        tpu.vector_store %arg5[%swap3A_377, %swap3A_378], %add3A_376 {strides = array<i32>} : memref<32x1024xf32, #tpu.memory_space<vmem>>, vector<16xf32>,
        %add3A_380 = arith.addf %gather3A_344, %gather3A_52 : vector<16xf32>
        %swap3A_381 = arith.index_cast %scan3A_339 : i32 to index
        %swap3A_382 = arith.constant 128 : index
        %swap3A_383 = tpu.vector_load %arg5[%swap3A_381, %swap3A_382] {strides = array<i32>} : memref<32x1024xf32, #tpu.memory_space<vmem>>, vector<16xf32>,
        tpu.vector_store %arg5[%swap3A_381, %swap3A_382], %add3A_380 {strides = array<i32>} : memref<32x1024xf32, #tpu.memory_space<vmem>>, vector<16xf32>,
        %add3A_384 = arith.addf %gather3A_348, %gather3A_52 : vector<16xf32>
        %swap3A_385 = arith.index_cast %scan3A_339 : i32 to index
        %swap3A_386 = arith.constant 144 : index
        %swap3A_387 = tpu.vector_load %arg5[%swap3A_385, %swap3A_386] {strides = array<i32>} : memref<32x1024xf32, #tpu.memory_space<vmem>>, vector<16xf32>,
        tpu.vector_store %arg5[%swap3A_385, %swap3A_386], %add3A_384 {strides = array<i32>} : memref<32x1024xf32, #tpu.memory_space<vmem>>, vector<16xf32>,
        %add3A_388 = arith.addf %gather3A_344, %gather3A_56 : vector<16xf32>
        %swap3A_389 = arith.index_cast %scan3A_339 : i32 to index
        %swap3A_390 = arith.constant 160 : index
        %swap3A_391 = tpu.vector_load %arg5[%swap3A_389, %swap3A_390] {strides = array<i32>} : memref<32x1024xf32, #tpu.memory_space<vmem>>, vector<16xf32>,
        tpu.vector_store %arg5[%swap3A_389, %swap3A_390], %add3A_388 {strides = array<i32>} : memref<32x1024xf32, #tpu.memory_space<vmem>>, vector<16xf32>,
        %add3A_392 = arith.addf %gather3A_348, %gather3A_56 : vector<16xf32>
        %swap3A_393 = arith.index_cast %scan3A_339 : i32 to index
        %swap3A_394 = arith.constant 176 : index
        %swap3A_395 = tpu.vector_load %arg5[%swap3A_393, %swap3A_394] {strides = array<i32>} : memref<32x1024xf32, #tpu.memory_space<vmem>>, vector<16xf32>,
        tpu.vector_store %arg5[%swap3A_393, %swap3A_394], %add3A_392 {strides = array<i32>} : memref<32x1024xf32, #tpu.memory_space<vmem>>, vector<16xf32>,
        %add3A_396 = arith.addf %gather3A_344, %gather3A_60 : vector<16xf32>
        %swap3A_397 = arith.index_cast %scan3A_339 : i32 to index
        %swap3A_398 = arith.constant 192 : index
        %swap3A_399 = tpu.vector_load %arg5[%swap3A_397, %swap3A_398] {strides = array<i32>} : memref<32x1024xf32, #tpu.memory_space<vmem>>, vector<16xf32>,
        tpu.vector_store %arg5[%swap3A_397, %swap3A_398], %add3A_396 {strides = array<i32>} : memref<32x1024xf32, #tpu.memory_space<vmem>>, vector<16xf32>,
        %add3A_400 = arith.addf %gather3A_348, %gather3A_60 : vector<16xf32>
        %swap3A_401 = arith.index_cast %scan3A_339 : i32 to index
        %swap3A_402 = arith.constant 208 : index
        %swap3A_403 = tpu.vector_load %arg5[%swap3A_401, %swap3A_402] {strides = array<i32>} : memref<32x1024xf32, #tpu.memory_space<vmem>>, vector<16xf32>,
        tpu.vector_store %arg5[%swap3A_401, %swap3A_402], %add3A_400 {strides = array<i32>} : memref<32x1024xf32, #tpu.memory_space<vmem>>, vector<16xf32>,
        %add3A_404 = arith.addf %gather3A_344, %gather3A_64 : vector<16xf32>
        %swap3A_405 = arith.index_cast %scan3A_339 : i32 to index
        %swap3A_406 = arith.constant 224 : index
        %swap3A_407 = tpu.vector_load %arg5[%swap3A_405, %swap3A_406] {strides = array<i32>} : memref<32x1024xf32, #tpu.memory_space<vmem>>, vector<16xf32>,
        tpu.vector_store %arg5[%swap3A_405, %swap3A_406], %add3A_404 {strides = array<i32>} : memref<32x1024xf32, #tpu.memory_space<vmem>>, vector<16xf32>,
        %add3A_408 = arith.addf %gather3A_348, %gather3A_64 : vector<16xf32>
        %swap3A_409 = arith.index_cast %scan3A_339 : i32 to index
        %swap3A_410 = arith.constant 240 : index
        %swap3A_411 = tpu.vector_load %arg5[%swap3A_409, %swap3A_410] {strides = array<i32>} : memref<32x1024xf32, #tpu.memory_space<vmem>>, vector<16xf32>,
        tpu.vector_store %arg5[%swap3A_409, %swap3A_410], %add3A_408 {strides = array<i32>} : memref<32x1024xf32, #tpu.memory_space<vmem>>, vector<16xf32>,
        %add3A_412 = arith.addf %gather3A_344, %gather3A_68 : vector<16xf32>
        %swap3A_413 = arith.index_cast %scan3A_339 : i32 to index
        %swap3A_414 = arith.constant 256 : index
        %swap3A_415 = tpu.vector_load %arg5[%swap3A_413, %swap3A_414] {strides = array<i32>} : memref<32x1024xf32, #tpu.memory_space<vmem>>, vector<16xf32>,
        tpu.vector_store %arg5[%swap3A_413, %swap3A_414], %add3A_412 {strides = array<i32>} : memref<32x1024xf32, #tpu.memory_space<vmem>>, vector<16xf32>,
        %add3A_416 = arith.addf %gather3A_348, %gather3A_68 : vector<16xf32>
        %swap3A_417 = arith.index_cast %scan3A_339 : i32 to index
        %swap3A_418 = arith.constant 272 : index
        %swap3A_419 = tpu.vector_load %arg5[%swap3A_417, %swap3A_418] {strides = array<i32>} : memref<32x1024xf32, #tpu.memory_space<vmem>>, vector<16xf32>,
        tpu.vector_store %arg5[%swap3A_417, %swap3A_418], %add3A_416 {strides = array<i32>} : memref<32x1024xf32, #tpu.memory_space<vmem>>, vector<16xf32>,
        %add3A_420 = arith.addf %gather3A_344, %gather3A_72 : vector<16xf32>
        %swap3A_421 = arith.index_cast %scan3A_339 : i32 to index
        %swap3A_422 = arith.constant 288 : index
        %swap3A_423 = tpu.vector_load %arg5[%swap3A_421, %swap3A_422] {strides = array<i32>} : memref<32x1024xf32, #tpu.memory_space<vmem>>, vector<16xf32>,
        tpu.vector_store %arg5[%swap3A_421, %swap3A_422], %add3A_420 {strides = array<i32>} : memref<32x1024xf32, #tpu.memory_space<vmem>>, vector<16xf32>,
        %add3A_424 = arith.addf %gather3A_348, %gather3A_72 : vector<16xf32>
        %swap3A_425 = arith.index_cast %scan3A_339 : i32 to index
        %swap3A_426 = arith.constant 304 : index
        %swap3A_427 = tpu.vector_load %arg5[%swap3A_425, %swap3A_426] {strides = array<i32>} : memref<32x1024xf32, #tpu.memory_space<vmem>>, vector<16xf32>,
        tpu.vector_store %arg5[%swap3A_425, %swap3A_426], %add3A_424 {strides = array<i32>} : memref<32x1024xf32, #tpu.memory_space<vmem>>, vector<16xf32>,
        %add3A_428 = arith.addf %gather3A_344, %gather3A_76 : vector<16xf32>
        %swap3A_429 = arith.index_cast %scan3A_339 : i32 to index
        %swap3A_430 = arith.constant 320 : index
        %swap3A_431 = tpu.vector_load %arg5[%swap3A_429, %swap3A_430] {strides = array<i32>} : memref<32x1024xf32, #tpu.memory_space<vmem>>, vector<16xf32>,
        tpu.vector_store %arg5[%swap3A_429, %swap3A_430], %add3A_428 {strides = array<i32>} : memref<32x1024xf32, #tpu.memory_space<vmem>>, vector<16xf32>,
        %add3A_432 = arith.addf %gather3A_348, %gather3A_76 : vector<16xf32>
        %swap3A_433 = arith.index_cast %scan3A_339 : i32 to index
        %swap3A_434 = arith.constant 336 : index
        %swap3A_435 = tpu.vector_load %arg5[%swap3A_433, %swap3A_434] {strides = array<i32>} : memref<32x1024xf32, #tpu.memory_space<vmem>>, vector<16xf32>,
        tpu.vector_store %arg5[%swap3A_433, %swap3A_434], %add3A_432 {strides = array<i32>} : memref<32x1024xf32, #tpu.memory_space<vmem>>, vector<16xf32>,
        %add3A_436 = arith.addf %gather3A_344, %gather3A_80 : vector<16xf32>
        %swap3A_437 = arith.index_cast %scan3A_339 : i32 to index
        %swap3A_438 = arith.constant 352 : index
        %swap3A_439 = tpu.vector_load %arg5[%swap3A_437, %swap3A_438] {strides = array<i32>} : memref<32x1024xf32, #tpu.memory_space<vmem>>, vector<16xf32>,
        tpu.vector_store %arg5[%swap3A_437, %swap3A_438], %add3A_436 {strides = array<i32>} : memref<32x1024xf32, #tpu.memory_space<vmem>>, vector<16xf32>,
        %add3A_440 = arith.addf %gather3A_348, %gather3A_80 : vector<16xf32>
        %swap3A_441 = arith.index_cast %scan3A_339 : i32 to index
        %swap3A_442 = arith.constant 368 : index
        %swap3A_443 = tpu.vector_load %arg5[%swap3A_441, %swap3A_442] {strides = array<i32>} : memref<32x1024xf32, #tpu.memory_space<vmem>>, vector<16xf32>,
        tpu.vector_store %arg5[%swap3A_441, %swap3A_442], %add3A_440 {strides = array<i32>} : memref<32x1024xf32, #tpu.memory_space<vmem>>, vector<16xf32>,
        %add3A_444 = arith.addf %gather3A_344, %gather3A_84 : vector<16xf32>
        %swap3A_445 = arith.index_cast %scan3A_339 : i32 to index
        %swap3A_446 = arith.constant 384 : index
        %swap3A_447 = tpu.vector_load %arg5[%swap3A_445, %swap3A_446] {strides = array<i32>} : memref<32x1024xf32, #tpu.memory_space<vmem>>, vector<16xf32>,
        tpu.vector_store %arg5[%swap3A_445, %swap3A_446], %add3A_444 {strides = array<i32>} : memref<32x1024xf32, #tpu.memory_space<vmem>>, vector<16xf32>,
        %add3A_448 = arith.addf %gather3A_348, %gather3A_84 : vector<16xf32>
        %swap3A_449 = arith.index_cast %scan3A_339 : i32 to index
        %swap3A_450 = arith.constant 400 : index
        %swap3A_451 = tpu.vector_load %arg5[%swap3A_449, %swap3A_450] {strides = array<i32>} : memref<32x1024xf32, #tpu.memory_space<vmem>>, vector<16xf32>,
        tpu.vector_store %arg5[%swap3A_449, %swap3A_450], %add3A_448 {strides = array<i32>} : memref<32x1024xf32, #tpu.memory_space<vmem>>, vector<16xf32>,
        %add3A_452 = arith.addf %gather3A_344, %gather3A_88 : vector<16xf32>
        %swap3A_453 = arith.index_cast %scan3A_339 : i32 to index
        %swap3A_454 = arith.constant 416 : index
        %swap3A_455 = tpu.vector_load %arg5[%swap3A_453, %swap3A_454] {strides = array<i32>} : memref<32x1024xf32, #tpu.memory_space<vmem>>, vector<16xf32>,
        tpu.vector_store %arg5[%swap3A_453, %swap3A_454], %add3A_452 {strides = array<i32>} : memref<32x1024xf32, #tpu.memory_space<vmem>>, vector<16xf32>,
        %add3A_456 = arith.addf %gather3A_348, %gather3A_88 : vector<16xf32>
        %swap3A_457 = arith.index_cast %scan3A_339 : i32 to index
        %swap3A_458 = arith.constant 432 : index
        %swap3A_459 = tpu.vector_load %arg5[%swap3A_457, %swap3A_458] {strides = array<i32>} : memref<32x1024xf32, #tpu.memory_space<vmem>>, vector<16xf32>,
        tpu.vector_store %arg5[%swap3A_457, %swap3A_458], %add3A_456 {strides = array<i32>} : memref<32x1024xf32, #tpu.memory_space<vmem>>, vector<16xf32>,
        %add3A_460 = arith.addf %gather3A_344, %gather3A_92 : vector<16xf32>
        %swap3A_461 = arith.index_cast %scan3A_339 : i32 to index
        %swap3A_462 = arith.constant 448 : index
        %swap3A_463 = tpu.vector_load %arg5[%swap3A_461, %swap3A_462] {strides = array<i32>} : memref<32x1024xf32, #tpu.memory_space<vmem>>, vector<16xf32>,
        tpu.vector_store %arg5[%swap3A_461, %swap3A_462], %add3A_460 {strides = array<i32>} : memref<32x1024xf32, #tpu.memory_space<vmem>>, vector<16xf32>,
        %add3A_464 = arith.addf %gather3A_348, %gather3A_92 : vector<16xf32>
        %swap3A_465 = arith.index_cast %scan3A_339 : i32 to index
        %swap3A_466 = arith.constant 464 : index
        %swap3A_467 = tpu.vector_load %arg5[%swap3A_465, %swap3A_466] {strides = array<i32>} : memref<32x1024xf32, #tpu.memory_space<vmem>>, vector<16xf32>,
        tpu.vector_store %arg5[%swap3A_465, %swap3A_466], %add3A_464 {strides = array<i32>} : memref<32x1024xf32, #tpu.memory_space<vmem>>, vector<16xf32>,
        %add3A_468 = arith.addf %gather3A_344, %gather3A_96 : vector<16xf32>
        %swap3A_469 = arith.index_cast %scan3A_339 : i32 to index
        %swap3A_470 = arith.constant 480 : index
        %swap3A_471 = tpu.vector_load %arg5[%swap3A_469, %swap3A_470] {strides = array<i32>} : memref<32x1024xf32, #tpu.memory_space<vmem>>, vector<16xf32>,
        tpu.vector_store %arg5[%swap3A_469, %swap3A_470], %add3A_468 {strides = array<i32>} : memref<32x1024xf32, #tpu.memory_space<vmem>>, vector<16xf32>,
        %add3A_472 = arith.addf %gather3A_348, %gather3A_96 : vector<16xf32>
        %swap3A_473 = arith.index_cast %scan3A_339 : i32 to index
        %swap3A_474 = arith.constant 496 : index
        %swap3A_475 = tpu.vector_load %arg5[%swap3A_473, %swap3A_474] {strides = array<i32>} : memref<32x1024xf32, #tpu.memory_space<vmem>>, vector<16xf32>,
        tpu.vector_store %arg5[%swap3A_473, %swap3A_474], %add3A_472 {strides = array<i32>} : memref<32x1024xf32, #tpu.memory_space<vmem>>, vector<16xf32>,
        %add3A_476 = arith.addf %gather3A_344, %gather3A_100 : vector<16xf32>
        %swap3A_477 = arith.index_cast %scan3A_339 : i32 to index
        %swap3A_478 = arith.constant 512 : index
        %swap3A_479 = tpu.vector_load %arg5[%swap3A_477, %swap3A_478] {strides = array<i32>} : memref<32x1024xf32, #tpu.memory_space<vmem>>, vector<16xf32>,
        tpu.vector_store %arg5[%swap3A_477, %swap3A_478], %add3A_476 {strides = array<i32>} : memref<32x1024xf32, #tpu.memory_space<vmem>>, vector<16xf32>,
        %add3A_480 = arith.addf %gather3A_348, %gather3A_100 : vector<16xf32>
        %swap3A_481 = arith.index_cast %scan3A_339 : i32 to index
        %swap3A_482 = arith.constant 528 : index
        %swap3A_483 = tpu.vector_load %arg5[%swap3A_481, %swap3A_482] {strides = array<i32>} : memref<32x1024xf32, #tpu.memory_space<vmem>>, vector<16xf32>,
        tpu.vector_store %arg5[%swap3A_481, %swap3A_482], %add3A_480 {strides = array<i32>} : memref<32x1024xf32, #tpu.memory_space<vmem>>, vector<16xf32>,
        %add3A_484 = arith.addf %gather3A_344, %gather3A_104 : vector<16xf32>
        %swap3A_485 = arith.index_cast %scan3A_339 : i32 to index
        %swap3A_486 = arith.constant 544 : index
        %swap3A_487 = tpu.vector_load %arg5[%swap3A_485, %swap3A_486] {strides = array<i32>} : memref<32x1024xf32, #tpu.memory_space<vmem>>, vector<16xf32>,
        tpu.vector_store %arg5[%swap3A_485, %swap3A_486], %add3A_484 {strides = array<i32>} : memref<32x1024xf32, #tpu.memory_space<vmem>>, vector<16xf32>,
        %add3A_488 = arith.addf %gather3A_348, %gather3A_104 : vector<16xf32>
        %swap3A_489 = arith.index_cast %scan3A_339 : i32 to index
        %swap3A_490 = arith.constant 560 : index
        %swap3A_491 = tpu.vector_load %arg5[%swap3A_489, %swap3A_490] {strides = array<i32>} : memref<32x1024xf32, #tpu.memory_space<vmem>>, vector<16xf32>,
        tpu.vector_store %arg5[%swap3A_489, %swap3A_490], %add3A_488 {strides = array<i32>} : memref<32x1024xf32, #tpu.memory_space<vmem>>, vector<16xf32>,
        %add3A_492 = arith.addf %gather3A_344, %gather3A_108 : vector<16xf32>
        %swap3A_493 = arith.index_cast %scan3A_339 : i32 to index
        %swap3A_494 = arith.constant 576 : index
        %swap3A_495 = tpu.vector_load %arg5[%swap3A_493, %swap3A_494] {strides = array<i32>} : memref<32x1024xf32, #tpu.memory_space<vmem>>, vector<16xf32>,
        tpu.vector_store %arg5[%swap3A_493, %swap3A_494], %add3A_492 {strides = array<i32>} : memref<32x1024xf32, #tpu.memory_space<vmem>>, vector<16xf32>,
        %add3A_496 = arith.addf %gather3A_348, %gather3A_108 : vector<16xf32>
        %swap3A_497 = arith.index_cast %scan3A_339 : i32 to index
        %swap3A_498 = arith.constant 592 : index
        %swap3A_499 = tpu.vector_load %arg5[%swap3A_497, %swap3A_498] {strides = array<i32>} : memref<32x1024xf32, #tpu.memory_space<vmem>>, vector<16xf32>,
        tpu.vector_store %arg5[%swap3A_497, %swap3A_498], %add3A_496 {strides = array<i32>} : memref<32x1024xf32, #tpu.memory_space<vmem>>, vector<16xf32>,
        %add3A_500 = arith.addf %gather3A_344, %gather3A_112 : vector<16xf32>
        %swap3A_501 = arith.index_cast %scan3A_339 : i32 to index
        %swap3A_502 = arith.constant 608 : index
        %swap3A_503 = tpu.vector_load %arg5[%swap3A_501, %swap3A_502] {strides = array<i32>} : memref<32x1024xf32, #tpu.memory_space<vmem>>, vector<16xf32>,
        tpu.vector_store %arg5[%swap3A_501, %swap3A_502], %add3A_500 {strides = array<i32>} : memref<32x1024xf32, #tpu.memory_space<vmem>>, vector<16xf32>,
        %add3A_504 = arith.addf %gather3A_348, %gather3A_112 : vector<16xf32>
        %swap3A_505 = arith.index_cast %scan3A_339 : i32 to index
        %swap3A_506 = arith.constant 624 : index
        %swap3A_507 = tpu.vector_load %arg5[%swap3A_505, %swap3A_506] {strides = array<i32>} : memref<32x1024xf32, #tpu.memory_space<vmem>>, vector<16xf32>,
        tpu.vector_store %arg5[%swap3A_505, %swap3A_506], %add3A_504 {strides = array<i32>} : memref<32x1024xf32, #tpu.memory_space<vmem>>, vector<16xf32>,
        %add3A_508 = arith.addf %gather3A_344, %gather3A_116 : vector<16xf32>
        %swap3A_509 = arith.index_cast %scan3A_339 : i32 to index
        %swap3A_510 = arith.constant 640 : index
        %swap3A_511 = tpu.vector_load %arg5[%swap3A_509, %swap3A_510] {strides = array<i32>} : memref<32x1024xf32, #tpu.memory_space<vmem>>, vector<16xf32>,
        tpu.vector_store %arg5[%swap3A_509, %swap3A_510], %add3A_508 {strides = array<i32>} : memref<32x1024xf32, #tpu.memory_space<vmem>>, vector<16xf32>,
        %add3A_512 = arith.addf %gather3A_348, %gather3A_116 : vector<16xf32>
        %swap3A_513 = arith.index_cast %scan3A_339 : i32 to index
        %swap3A_514 = arith.constant 656 : index
        %swap3A_515 = tpu.vector_load %arg5[%swap3A_513, %swap3A_514] {strides = array<i32>} : memref<32x1024xf32, #tpu.memory_space<vmem>>, vector<16xf32>,
        tpu.vector_store %arg5[%swap3A_513, %swap3A_514], %add3A_512 {strides = array<i32>} : memref<32x1024xf32, #tpu.memory_space<vmem>>, vector<16xf32>,
        %add3A_516 = arith.addf %gather3A_344, %gather3A_120 : vector<16xf32>
        %swap3A_517 = arith.index_cast %scan3A_339 : i32 to index
        %swap3A_518 = arith.constant 672 : index
        %swap3A_519 = tpu.vector_load %arg5[%swap3A_517, %swap3A_518] {strides = array<i32>} : memref<32x1024xf32, #tpu.memory_space<vmem>>, vector<16xf32>,
        tpu.vector_store %arg5[%swap3A_517, %swap3A_518], %add3A_516 {strides = array<i32>} : memref<32x1024xf32, #tpu.memory_space<vmem>>, vector<16xf32>,
        %add3A_520 = arith.addf %gather3A_348, %gather3A_120 : vector<16xf32>
        %swap3A_521 = arith.index_cast %scan3A_339 : i32 to index
        %swap3A_522 = arith.constant 688 : index
        %swap3A_523 = tpu.vector_load %arg5[%swap3A_521, %swap3A_522] {strides = array<i32>} : memref<32x1024xf32, #tpu.memory_space<vmem>>, vector<16xf32>,
        tpu.vector_store %arg5[%swap3A_521, %swap3A_522], %add3A_520 {strides = array<i32>} : memref<32x1024xf32, #tpu.memory_space<vmem>>, vector<16xf32>,
        %add3A_524 = arith.addf %gather3A_344, %gather3A_124 : vector<16xf32>
        %swap3A_525 = arith.index_cast %scan3A_339 : i32 to index
        %swap3A_526 = arith.constant 704 : index
        %swap3A_527 = tpu.vector_load %arg5[%swap3A_525, %swap3A_526] {strides = array<i32>} : memref<32x1024xf32, #tpu.memory_space<vmem>>, vector<16xf32>,
        tpu.vector_store %arg5[%swap3A_525, %swap3A_526], %add3A_524 {strides = array<i32>} : memref<32x1024xf32, #tpu.memory_space<vmem>>, vector<16xf32>,
        %add3A_528 = arith.addf %gather3A_348, %gather3A_124 : vector<16xf32>
        %swap3A_529 = arith.index_cast %scan3A_339 : i32 to index
        %swap3A_530 = arith.constant 720 : index
        %swap3A_531 = tpu.vector_load %arg5[%swap3A_529, %swap3A_530] {strides = array<i32>} : memref<32x1024xf32, #tpu.memory_space<vmem>>, vector<16xf32>,
        tpu.vector_store %arg5[%swap3A_529, %swap3A_530], %add3A_528 {strides = array<i32>} : memref<32x1024xf32, #tpu.memory_space<vmem>>, vector<16xf32>,
        %add3A_532 = arith.addf %gather3A_344, %gather3A_128 : vector<16xf32>
        %swap3A_533 = arith.index_cast %scan3A_339 : i32 to index
        %swap3A_534 = arith.constant 736 : index
        %swap3A_535 = tpu.vector_load %arg5[%swap3A_533, %swap3A_534] {strides = array<i32>} : memref<32x1024xf32, #tpu.memory_space<vmem>>, vector<16xf32>,
        tpu.vector_store %arg5[%swap3A_533, %swap3A_534], %add3A_532 {strides = array<i32>} : memref<32x1024xf32, #tpu.memory_space<vmem>>, vector<16xf32>,
        %add3A_536 = arith.addf %gather3A_348, %gather3A_128 : vector<16xf32>
        %swap3A_537 = arith.index_cast %scan3A_339 : i32 to index
        %swap3A_538 = arith.constant 752 : index
        %swap3A_539 = tpu.vector_load %arg5[%swap3A_537, %swap3A_538] {strides = array<i32>} : memref<32x1024xf32, #tpu.memory_space<vmem>>, vector<16xf32>,
        tpu.vector_store %arg5[%swap3A_537, %swap3A_538], %add3A_536 {strides = array<i32>} : memref<32x1024xf32, #tpu.memory_space<vmem>>, vector<16xf32>,
        %add3A_540 = arith.addf %gather3A_344, %gather3A_132 : vector<16xf32>
        %swap3A_541 = arith.index_cast %scan3A_339 : i32 to index
        %swap3A_542 = arith.constant 768 : index
        %swap3A_543 = tpu.vector_load %arg5[%swap3A_541, %swap3A_542] {strides = array<i32>} : memref<32x1024xf32, #tpu.memory_space<vmem>>, vector<16xf32>,
        tpu.vector_store %arg5[%swap3A_541, %swap3A_542], %add3A_540 {strides = array<i32>} : memref<32x1024xf32, #tpu.memory_space<vmem>>, vector<16xf32>,
        %add3A_544 = arith.addf %gather3A_348, %gather3A_132 : vector<16xf32>
        %swap3A_545 = arith.index_cast %scan3A_339 : i32 to index
        %swap3A_546 = arith.constant 784 : index
        %swap3A_547 = tpu.vector_load %arg5[%swap3A_545, %swap3A_546] {strides = array<i32>} : memref<32x1024xf32, #tpu.memory_space<vmem>>, vector<16xf32>,
        tpu.vector_store %arg5[%swap3A_545, %swap3A_546], %add3A_544 {strides = array<i32>} : memref<32x1024xf32, #tpu.memory_space<vmem>>, vector<16xf32>,
        %add3A_548 = arith.addf %gather3A_344, %gather3A_136 : vector<16xf32>
        %swap3A_549 = arith.index_cast %scan3A_339 : i32 to index
        %swap3A_550 = arith.constant 800 : index
        %swap3A_551 = tpu.vector_load %arg5[%swap3A_549, %swap3A_550] {strides = array<i32>} : memref<32x1024xf32, #tpu.memory_space<vmem>>, vector<16xf32>,
        tpu.vector_store %arg5[%swap3A_549, %swap3A_550], %add3A_548 {strides = array<i32>} : memref<32x1024xf32, #tpu.memory_space<vmem>>, vector<16xf32>,
        %add3A_552 = arith.addf %gather3A_348, %gather3A_136 : vector<16xf32>
        %swap3A_553 = arith.index_cast %scan3A_339 : i32 to index
        %swap3A_554 = arith.constant 816 : index
        %swap3A_555 = tpu.vector_load %arg5[%swap3A_553, %swap3A_554] {strides = array<i32>} : memref<32x1024xf32, #tpu.memory_space<vmem>>, vector<16xf32>,
        tpu.vector_store %arg5[%swap3A_553, %swap3A_554], %add3A_552 {strides = array<i32>} : memref<32x1024xf32, #tpu.memory_space<vmem>>, vector<16xf32>,
        %add3A_556 = arith.addf %gather3A_344, %gather3A_140 : vector<16xf32>
        %swap3A_557 = arith.index_cast %scan3A_339 : i32 to index
        %swap3A_558 = arith.constant 832 : index
        %swap3A_559 = tpu.vector_load %arg5[%swap3A_557, %swap3A_558] {strides = array<i32>} : memref<32x1024xf32, #tpu.memory_space<vmem>>, vector<16xf32>,
        tpu.vector_store %arg5[%swap3A_557, %swap3A_558], %add3A_556 {strides = array<i32>} : memref<32x1024xf32, #tpu.memory_space<vmem>>, vector<16xf32>,
        %add3A_560 = arith.addf %gather3A_348, %gather3A_140 : vector<16xf32>
        %swap3A_561 = arith.index_cast %scan3A_339 : i32 to index
        %swap3A_562 = arith.constant 848 : index
        %swap3A_563 = tpu.vector_load %arg5[%swap3A_561, %swap3A_562] {strides = array<i32>} : memref<32x1024xf32, #tpu.memory_space<vmem>>, vector<16xf32>,
        tpu.vector_store %arg5[%swap3A_561, %swap3A_562], %add3A_560 {strides = array<i32>} : memref<32x1024xf32, #tpu.memory_space<vmem>>, vector<16xf32>,
        %add3A_564 = arith.addf %gather3A_344, %gather3A_144 : vector<16xf32>
        %swap3A_565 = arith.index_cast %scan3A_339 : i32 to index
        %swap3A_566 = arith.constant 864 : index
        %swap3A_567 = tpu.vector_load %arg5[%swap3A_565, %swap3A_566] {strides = array<i32>} : memref<32x1024xf32, #tpu.memory_space<vmem>>, vector<16xf32>,
        tpu.vector_store %arg5[%swap3A_565, %swap3A_566], %add3A_564 {strides = array<i32>} : memref<32x1024xf32, #tpu.memory_space<vmem>>, vector<16xf32>,
        %add3A_568 = arith.addf %gather3A_348, %gather3A_144 : vector<16xf32>
        %swap3A_569 = arith.index_cast %scan3A_339 : i32 to index
        %swap3A_570 = arith.constant 880 : index
        %swap3A_571 = tpu.vector_load %arg5[%swap3A_569, %swap3A_570] {strides = array<i32>} : memref<32x1024xf32, #tpu.memory_space<vmem>>, vector<16xf32>,
        tpu.vector_store %arg5[%swap3A_569, %swap3A_570], %add3A_568 {strides = array<i32>} : memref<32x1024xf32, #tpu.memory_space<vmem>>, vector<16xf32>,
        %add3A_572 = arith.addf %gather3A_344, %gather3A_148 : vector<16xf32>
        %swap3A_573 = arith.index_cast %scan3A_339 : i32 to index
        %swap3A_574 = arith.constant 896 : index
        %swap3A_575 = tpu.vector_load %arg5[%swap3A_573, %swap3A_574] {strides = array<i32>} : memref<32x1024xf32, #tpu.memory_space<vmem>>, vector<16xf32>,
        tpu.vector_store %arg5[%swap3A_573, %swap3A_574], %add3A_572 {strides = array<i32>} : memref<32x1024xf32, #tpu.memory_space<vmem>>, vector<16xf32>,
        %add3A_576 = arith.addf %gather3A_348, %gather3A_148 : vector<16xf32>
        %swap3A_577 = arith.index_cast %scan3A_339 : i32 to index
        %swap3A_578 = arith.constant 912 : index
        %swap3A_579 = tpu.vector_load %arg5[%swap3A_577, %swap3A_578] {strides = array<i32>} : memref<32x1024xf32, #tpu.memory_space<vmem>>, vector<16xf32>,
        tpu.vector_store %arg5[%swap3A_577, %swap3A_578], %add3A_576 {strides = array<i32>} : memref<32x1024xf32, #tpu.memory_space<vmem>>, vector<16xf32>,
        %add3A_580 = arith.addf %gather3A_344, %gather3A_152 : vector<16xf32>
        %swap3A_581 = arith.index_cast %scan3A_339 : i32 to index
        %swap3A_582 = arith.constant 928 : index
        %swap3A_583 = tpu.vector_load %arg5[%swap3A_581, %swap3A_582] {strides = array<i32>} : memref<32x1024xf32, #tpu.memory_space<vmem>>, vector<16xf32>,
        tpu.vector_store %arg5[%swap3A_581, %swap3A_582], %add3A_580 {strides = array<i32>} : memref<32x1024xf32, #tpu.memory_space<vmem>>, vector<16xf32>,
        %add3A_584 = arith.addf %gather3A_348, %gather3A_152 : vector<16xf32>
        %swap3A_585 = arith.index_cast %scan3A_339 : i32 to index
        %swap3A_586 = arith.constant 944 : index
        %swap3A_587 = tpu.vector_load %arg5[%swap3A_585, %swap3A_586] {strides = array<i32>} : memref<32x1024xf32, #tpu.memory_space<vmem>>, vector<16xf32>,
        tpu.vector_store %arg5[%swap3A_585, %swap3A_586], %add3A_584 {strides = array<i32>} : memref<32x1024xf32, #tpu.memory_space<vmem>>, vector<16xf32>,
        %add3A_588 = arith.addf %gather3A_344, %gather3A_156 : vector<16xf32>
        %swap3A_589 = arith.index_cast %scan3A_339 : i32 to index
        %swap3A_590 = arith.constant 960 : index
        %swap3A_591 = tpu.vector_load %arg5[%swap3A_589, %swap3A_590] {strides = array<i32>} : memref<32x1024xf32, #tpu.memory_space<vmem>>, vector<16xf32>,
        tpu.vector_store %arg5[%swap3A_589, %swap3A_590], %add3A_588 {strides = array<i32>} : memref<32x1024xf32, #tpu.memory_space<vmem>>, vector<16xf32>,
        %add3A_592 = arith.addf %gather3A_348, %gather3A_156 : vector<16xf32>
        %swap3A_593 = arith.index_cast %scan3A_339 : i32 to index
        %swap3A_594 = arith.constant 976 : index
        %swap3A_595 = tpu.vector_load %arg5[%swap3A_593, %swap3A_594] {strides = array<i32>} : memref<32x1024xf32, #tpu.memory_space<vmem>>, vector<16xf32>,
        tpu.vector_store %arg5[%swap3A_593, %swap3A_594], %add3A_592 {strides = array<i32>} : memref<32x1024xf32, #tpu.memory_space<vmem>>, vector<16xf32>,
        %add3A_596 = arith.addf %gather3A_344, %gather3A_160 : vector<16xf32>
        %swap3A_597 = arith.index_cast %scan3A_339 : i32 to index
        %swap3A_598 = arith.constant 992 : index
        %swap3A_599 = tpu.vector_load %arg5[%swap3A_597, %swap3A_598] {strides = array<i32>} : memref<32x1024xf32, #tpu.memory_space<vmem>>, vector<16xf32>,
        tpu.vector_store %arg5[%swap3A_597, %swap3A_598], %add3A_596 {strides = array<i32>} : memref<32x1024xf32, #tpu.memory_space<vmem>>, vector<16xf32>,
        %add3A_600 = arith.addf %gather3A_348, %gather3A_160 : vector<16xf32>
        %swap3A_601 = arith.index_cast %scan3A_339 : i32 to index
        %swap3A_602 = arith.constant 1008 : index
        %swap3A_603 = tpu.vector_load %arg5[%swap3A_601, %swap3A_602] {strides = array<i32>} : memref<32x1024xf32, #tpu.memory_space<vmem>>, vector<16xf32>,
        tpu.vector_store %arg5[%swap3A_601, %swap3A_602], %add3A_600 {strides = array<i32>} : memref<32x1024xf32, #tpu.memory_space<vmem>>, vector<16xf32>,
        %eq3A = arith.constant 15 : i32
        %eq3A_604 = arith.cmpi eq, %scan3A_339, %eq3A : i32
        %convert_element_type3A_605 = arith.extui %eq3A_604 : i1 to i32
        %cond3A_606 = arith.constant 0 : i32
        %cond3A_607 = arith.cmpi ne, %convert_element_type3A_605, %cond3A_606 : i32
        scf.if %cond3A_607 {
          %mul3A_608 = arith.constant 32 : i32
          %mul3A_609 = arith.muli %mul3A_608, %add3A_29 : i32
          %dma_start3A_610 = arith.constant 0 : i32
          %dma_start3A_611 = arith.constant 0 : i32
          %dma_start3A_612 = tpu.memref_slice %arg5[%dma_start3A_610, %dma_start3A_611] : memref<32x1024xf32, #tpu.memory_space<vmem>> -> memref<16x1024xf32, #tpu.memory_space<vmem>>
          %dma_start3A_613 = arith.constant 0 : i32
          %dma_start3A_614 = tpu.memref_slice %arg3[%arg1, %mul3A_609, %dma_start3A_613] : memref<16x1024x1024xf32, #tpu.memory_space<hbm>> -> memref<1x16x1024xf32, #tpu.memory_space<hbm>>
          %dma_start3A_615 = tpu.memref_squeeze %dma_start3A_614 : memref<1x16x1024xf32, #tpu.memory_space<hbm>> -> memref<16x1024xf32, #tpu.memory_space<hbm>>
          %dma_start3A_616 = arith.constant 0 : i32
          %dma_start3A_617 = tpu.memref_slice %arg3[%arg1, %mul3A_609, %dma_start3A_616] : memref<16x1024x1024xf32, #tpu.memory_space<hbm>> -> memref<1x16x1024xf32, #tpu.memory_space<hbm>>
          %dma_start3A_618 = tpu.memref_squeeze %dma_start3A_617 : memref<1x16x1024xf32, #tpu.memory_space<hbm>> -> memref<16x1024xf32, #tpu.memory_space<hbm>>
          %dma_start3A_619 = arith.constant 0 : i32
          %dma_start3A_620 = arith.constant 0 : i32
          %dma_start3A_621 = tpu.memref_slice %arg5[%dma_start3A_619, %dma_start3A_620] : memref<32x1024xf32, #tpu.memory_space<vmem>> -> memref<16x1024xf32, #tpu.memory_space<vmem>>
          tpu.enqueue_dma source(%dma_start3A_621 : memref<16x1024xf32, #tpu.memory_space<vmem>>) target(%dma_start3A_618 : memref<16x1024xf32, #tpu.memory_space<hbm>>) target_semaphore(%arg7 : memref<!tpu.dma_semaphore, #tpu.memory_space<semaphore_mem>>)
        } else {
        }
      }
      %scan3A_166 = arith.constant 32 : i32
      %mul3A_167 = arith.constant 32 : i32
      %mul3A_168 = arith.muli %mul3A_167, %add3A_29 : i32
      %add3A_169 = arith.constant 16 : i32
      %add3A_170 = arith.addi %mul3A_168, %add3A_169 : i32
      %dma_start3A = arith.constant 16 : i32
      %dma_start3A_171 = arith.constant 0 : i32
      %dma_start3A_172 = tpu.memref_slice %arg5[%dma_start3A, %dma_start3A_171] : memref<32x1024xf32, #tpu.memory_space<vmem>> -> memref<16x1024xf32, #tpu.memory_space<vmem>>
      %dma_start3A_173 = arith.constant 0 : i32
      %dma_start3A_174 = tpu.memref_slice %arg3[%arg1, %add3A_170, %dma_start3A_173] : memref<16x1024x1024xf32, #tpu.memory_space<hbm>> -> memref<1x16x1024xf32, #tpu.memory_space<hbm>>
      %dma_start3A_175 = tpu.memref_squeeze %dma_start3A_174 : memref<1x16x1024xf32, #tpu.memory_space<hbm>> -> memref<16x1024xf32, #tpu.memory_space<hbm>>
      %dma_start3A_176 = arith.constant 0 : i32
      %dma_start3A_177 = tpu.memref_slice %arg3[%arg1, %add3A_170, %dma_start3A_176] : memref<16x1024x1024xf32, #tpu.memory_space<hbm>> -> memref<1x16x1024xf32, #tpu.memory_space<hbm>>
      %dma_start3A_178 = tpu.memref_squeeze %dma_start3A_177 : memref<1x16x1024xf32, #tpu.memory_space<hbm>> -> memref<16x1024xf32, #tpu.memory_space<hbm>>
      %dma_start3A_179 = arith.constant 16 : i32
      %dma_start3A_180 = arith.constant 0 : i32
      %dma_start3A_181 = tpu.memref_slice %arg5[%dma_start3A_179, %dma_start3A_180] : memref<32x1024xf32, #tpu.memory_space<vmem>> -> memref<16x1024xf32, #tpu.memory_space<vmem>>
      tpu.enqueue_dma source(%dma_start3A_181 : memref<16x1024xf32, #tpu.memory_space<vmem>>) target(%dma_start3A_178 : memref<16x1024xf32, #tpu.memory_space<hbm>>) target_semaphore(%arg7 : memref<!tpu.dma_semaphore, #tpu.memory_space<semaphore_mem>>)
      %gt3A_182 = arith.constant 0 : i32
      %gt3A_183 = arith.cmpi sgt, %scan3A_24, %gt3A_182 : i32
      %convert_element_type3A_184 = arith.extui %gt3A_183 : i1 to i32
      %cond3A_185 = arith.constant 0 : i32
      %cond3A_186 = arith.cmpi ne, %convert_element_type3A_184, %cond3A_185 : i32
      scf.if %cond3A_186 {
        %sub3A_339 = arith.constant 2 : i32
        %sub3A_340 = arith.subi %add3A_31, %sub3A_339 : i32
        %mul3A_341 = arith.constant 32 : i32
        %mul3A_342 = arith.muli %mul3A_341, %sub3A_340 : i32
        %dma_wait3A_343 = arith.constant 0 : i32
        %dma_wait3A_344 = tpu.memref_slice %arg3[%arg1, %mul3A_342, %dma_wait3A_343] : memref<16x1024x1024xf32, #tpu.memory_space<hbm>> -> memref<1x32x1024xf32, #tpu.memory_space<hbm>>
        %dma_wait3A_345 = tpu.memref_squeeze %dma_wait3A_344 : memref<1x32x1024xf32, #tpu.memory_space<hbm>> -> memref<32x1024xf32, #tpu.memory_space<hbm>>
        %dma_wait3A_346 = arith.constant 0 : i32
        %dma_wait3A_347 = tpu.memref_slice %arg3[%arg1, %mul3A_342, %dma_wait3A_346] : memref<16x1024x1024xf32, #tpu.memory_space<hbm>> -> memref<1x32x1024xf32, #tpu.memory_space<hbm>>
        %dma_wait3A_348 = tpu.memref_squeeze %dma_wait3A_347 : memref<1x32x1024xf32, #tpu.memory_space<hbm>> -> memref<32x1024xf32, #tpu.memory_space<hbm>>
        tpu.wait_dma2 semaphore(%arg8 : memref<!tpu.dma_semaphore, #tpu.memory_space<semaphore_mem>>) src(%arg6 : memref<32x1024xf32, #tpu.memory_space<vmem>>) dst(%dma_wait3A_348 : memref<32x1024xf32, #tpu.memory_space<hbm>>)
      } else {
      }
      %sub3A_187 = arith.constant 31 : i32
      %sub3A_188 = arith.subi %sub3A_187, %add3A_31 : i32
      %add3A_189 = arith.constant 0 : i32
      %add3A_190 = arith.addi %sub3A_188, %add3A_189 : i32
      %broadcast_in_dim3A_191 = vector.broadcast %add3A_190 : i32 to vector<16xi32>
      %gather3A_192 = tpu.vector_load_idx %arg4[%broadcast_in_dim3A_191] : memref<128xf32, #tpu.memory_space<vmem>>[vector<16xi32>], vector<16xf32>,
      %add3A_193 = arith.constant 1 : i32
      %add3A_194 = arith.addi %sub3A_188, %add3A_193 : i32
      %broadcast_in_dim3A_195 = vector.broadcast %add3A_194 : i32 to vector<16xi32>
      %gather3A_196 = tpu.vector_load_idx %arg4[%broadcast_in_dim3A_195] : memref<128xf32, #tpu.memory_space<vmem>>[vector<16xi32>], vector<16xf32>,
      %add3A_197 = arith.constant 2 : i32
      %add3A_198 = arith.addi %sub3A_188, %add3A_197 : i32
      %broadcast_in_dim3A_199 = vector.broadcast %add3A_198 : i32 to vector<16xi32>
      %gather3A_200 = tpu.vector_load_idx %arg4[%broadcast_in_dim3A_199] : memref<128xf32, #tpu.memory_space<vmem>>[vector<16xi32>], vector<16xf32>,
      %add3A_201 = arith.constant 3 : i32
      %add3A_202 = arith.addi %sub3A_188, %add3A_201 : i32
      %broadcast_in_dim3A_203 = vector.broadcast %add3A_202 : i32 to vector<16xi32>
      %gather3A_204 = tpu.vector_load_idx %arg4[%broadcast_in_dim3A_203] : memref<128xf32, #tpu.memory_space<vmem>>[vector<16xi32>], vector<16xf32>,
      %add3A_205 = arith.constant 4 : i32
      %add3A_206 = arith.addi %sub3A_188, %add3A_205 : i32
      %broadcast_in_dim3A_207 = vector.broadcast %add3A_206 : i32 to vector<16xi32>
      %gather3A_208 = tpu.vector_load_idx %arg4[%broadcast_in_dim3A_207] : memref<128xf32, #tpu.memory_space<vmem>>[vector<16xi32>], vector<16xf32>,
      %add3A_209 = arith.constant 5 : i32
      %add3A_210 = arith.addi %sub3A_188, %add3A_209 : i32
      %broadcast_in_dim3A_211 = vector.broadcast %add3A_210 : i32 to vector<16xi32>
      %gather3A_212 = tpu.vector_load_idx %arg4[%broadcast_in_dim3A_211] : memref<128xf32, #tpu.memory_space<vmem>>[vector<16xi32>], vector<16xf32>,
      %add3A_213 = arith.constant 6 : i32
      %add3A_214 = arith.addi %sub3A_188, %add3A_213 : i32
      %broadcast_in_dim3A_215 = vector.broadcast %add3A_214 : i32 to vector<16xi32>
      %gather3A_216 = tpu.vector_load_idx %arg4[%broadcast_in_dim3A_215] : memref<128xf32, #tpu.memory_space<vmem>>[vector<16xi32>], vector<16xf32>,
      %add3A_217 = arith.constant 7 : i32
      %add3A_218 = arith.addi %sub3A_188, %add3A_217 : i32
      %broadcast_in_dim3A_219 = vector.broadcast %add3A_218 : i32 to vector<16xi32>
      %gather3A_220 = tpu.vector_load_idx %arg4[%broadcast_in_dim3A_219] : memref<128xf32, #tpu.memory_space<vmem>>[vector<16xi32>], vector<16xf32>,
      %add3A_221 = arith.constant 8 : i32
      %add3A_222 = arith.addi %sub3A_188, %add3A_221 : i32
      %broadcast_in_dim3A_223 = vector.broadcast %add3A_222 : i32 to vector<16xi32>
      %gather3A_224 = tpu.vector_load_idx %arg4[%broadcast_in_dim3A_223] : memref<128xf32, #tpu.memory_space<vmem>>[vector<16xi32>], vector<16xf32>,
      %add3A_225 = arith.constant 9 : i32
      %add3A_226 = arith.addi %sub3A_188, %add3A_225 : i32
      %broadcast_in_dim3A_227 = vector.broadcast %add3A_226 : i32 to vector<16xi32>
      %gather3A_228 = tpu.vector_load_idx %arg4[%broadcast_in_dim3A_227] : memref<128xf32, #tpu.memory_space<vmem>>[vector<16xi32>], vector<16xf32>,
      %add3A_229 = arith.constant 10 : i32
      %add3A_230 = arith.addi %sub3A_188, %add3A_229 : i32
      %broadcast_in_dim3A_231 = vector.broadcast %add3A_230 : i32 to vector<16xi32>
      %gather3A_232 = tpu.vector_load_idx %arg4[%broadcast_in_dim3A_231] : memref<128xf32, #tpu.memory_space<vmem>>[vector<16xi32>], vector<16xf32>,
      %add3A_233 = arith.constant 11 : i32
      %add3A_234 = arith.addi %sub3A_188, %add3A_233 : i32
      %broadcast_in_dim3A_235 = vector.broadcast %add3A_234 : i32 to vector<16xi32>
      %gather3A_236 = tpu.vector_load_idx %arg4[%broadcast_in_dim3A_235] : memref<128xf32, #tpu.memory_space<vmem>>[vector<16xi32>], vector<16xf32>,
      %add3A_237 = arith.constant 12 : i32
      %add3A_238 = arith.addi %sub3A_188, %add3A_237 : i32
      %broadcast_in_dim3A_239 = vector.broadcast %add3A_238 : i32 to vector<16xi32>
      %gather3A_240 = tpu.vector_load_idx %arg4[%broadcast_in_dim3A_239] : memref<128xf32, #tpu.memory_space<vmem>>[vector<16xi32>], vector<16xf32>,
      %add3A_241 = arith.constant 13 : i32
      %add3A_242 = arith.addi %sub3A_188, %add3A_241 : i32
      %broadcast_in_dim3A_243 = vector.broadcast %add3A_242 : i32 to vector<16xi32>
      %gather3A_244 = tpu.vector_load_idx %arg4[%broadcast_in_dim3A_243] : memref<128xf32, #tpu.memory_space<vmem>>[vector<16xi32>], vector<16xf32>,
      %add3A_245 = arith.constant 14 : i32
      %add3A_246 = arith.addi %sub3A_188, %add3A_245 : i32
      %broadcast_in_dim3A_247 = vector.broadcast %add3A_246 : i32 to vector<16xi32>
      %gather3A_248 = tpu.vector_load_idx %arg4[%broadcast_in_dim3A_247] : memref<128xf32, #tpu.memory_space<vmem>>[vector<16xi32>], vector<16xf32>,
      %add3A_249 = arith.constant 15 : i32
      %add3A_250 = arith.addi %sub3A_188, %add3A_249 : i32
      %broadcast_in_dim3A_251 = vector.broadcast %add3A_250 : i32 to vector<16xi32>
      %gather3A_252 = tpu.vector_load_idx %arg4[%broadcast_in_dim3A_251] : memref<128xf32, #tpu.memory_space<vmem>>[vector<16xi32>], vector<16xf32>,
      %add3A_253 = arith.constant 16 : i32
      %add3A_254 = arith.addi %sub3A_188, %add3A_253 : i32
      %broadcast_in_dim3A_255 = vector.broadcast %add3A_254 : i32 to vector<16xi32>
      %gather3A_256 = tpu.vector_load_idx %arg4[%broadcast_in_dim3A_255] : memref<128xf32, #tpu.memory_space<vmem>>[vector<16xi32>], vector<16xf32>,
      %add3A_257 = arith.constant 17 : i32
      %add3A_258 = arith.addi %sub3A_188, %add3A_257 : i32
      %broadcast_in_dim3A_259 = vector.broadcast %add3A_258 : i32 to vector<16xi32>
      %gather3A_260 = tpu.vector_load_idx %arg4[%broadcast_in_dim3A_259] : memref<128xf32, #tpu.memory_space<vmem>>[vector<16xi32>], vector<16xf32>,
      %add3A_261 = arith.constant 18 : i32
      %add3A_262 = arith.addi %sub3A_188, %add3A_261 : i32
      %broadcast_in_dim3A_263 = vector.broadcast %add3A_262 : i32 to vector<16xi32>
      %gather3A_264 = tpu.vector_load_idx %arg4[%broadcast_in_dim3A_263] : memref<128xf32, #tpu.memory_space<vmem>>[vector<16xi32>], vector<16xf32>,
      %add3A_265 = arith.constant 19 : i32
      %add3A_266 = arith.addi %sub3A_188, %add3A_265 : i32
      %broadcast_in_dim3A_267 = vector.broadcast %add3A_266 : i32 to vector<16xi32>
      %gather3A_268 = tpu.vector_load_idx %arg4[%broadcast_in_dim3A_267] : memref<128xf32, #tpu.memory_space<vmem>>[vector<16xi32>], vector<16xf32>,
      %add3A_269 = arith.constant 20 : i32
      %add3A_270 = arith.addi %sub3A_188, %add3A_269 : i32
      %broadcast_in_dim3A_271 = vector.broadcast %add3A_270 : i32 to vector<16xi32>
      %gather3A_272 = tpu.vector_load_idx %arg4[%broadcast_in_dim3A_271] : memref<128xf32, #tpu.memory_space<vmem>>[vector<16xi32>], vector<16xf32>,
      %add3A_273 = arith.constant 21 : i32
      %add3A_274 = arith.addi %sub3A_188, %add3A_273 : i32
      %broadcast_in_dim3A_275 = vector.broadcast %add3A_274 : i32 to vector<16xi32>
      %gather3A_276 = tpu.vector_load_idx %arg4[%broadcast_in_dim3A_275] : memref<128xf32, #tpu.memory_space<vmem>>[vector<16xi32>], vector<16xf32>,
      %add3A_277 = arith.constant 22 : i32
      %add3A_278 = arith.addi %sub3A_188, %add3A_277 : i32
      %broadcast_in_dim3A_279 = vector.broadcast %add3A_278 : i32 to vector<16xi32>
      %gather3A_280 = tpu.vector_load_idx %arg4[%broadcast_in_dim3A_279] : memref<128xf32, #tpu.memory_space<vmem>>[vector<16xi32>], vector<16xf32>,
      %add3A_281 = arith.constant 23 : i32
      %add3A_282 = arith.addi %sub3A_188, %add3A_281 : i32
      %broadcast_in_dim3A_283 = vector.broadcast %add3A_282 : i32 to vector<16xi32>
      %gather3A_284 = tpu.vector_load_idx %arg4[%broadcast_in_dim3A_283] : memref<128xf32, #tpu.memory_space<vmem>>[vector<16xi32>], vector<16xf32>,
      %add3A_285 = arith.constant 24 : i32
      %add3A_286 = arith.addi %sub3A_188, %add3A_285 : i32
      %broadcast_in_dim3A_287 = vector.broadcast %add3A_286 : i32 to vector<16xi32>
      %gather3A_288 = tpu.vector_load_idx %arg4[%broadcast_in_dim3A_287] : memref<128xf32, #tpu.memory_space<vmem>>[vector<16xi32>], vector<16xf32>,
      %add3A_289 = arith.constant 25 : i32
      %add3A_290 = arith.addi %sub3A_188, %add3A_289 : i32
      %broadcast_in_dim3A_291 = vector.broadcast %add3A_290 : i32 to vector<16xi32>
      %gather3A_292 = tpu.vector_load_idx %arg4[%broadcast_in_dim3A_291] : memref<128xf32, #tpu.memory_space<vmem>>[vector<16xi32>], vector<16xf32>,
      %add3A_293 = arith.constant 26 : i32
      %add3A_294 = arith.addi %sub3A_188, %add3A_293 : i32
      %broadcast_in_dim3A_295 = vector.broadcast %add3A_294 : i32 to vector<16xi32>
      %gather3A_296 = tpu.vector_load_idx %arg4[%broadcast_in_dim3A_295] : memref<128xf32, #tpu.memory_space<vmem>>[vector<16xi32>], vector<16xf32>,
      %add3A_297 = arith.constant 27 : i32
      %add3A_298 = arith.addi %sub3A_188, %add3A_297 : i32
      %broadcast_in_dim3A_299 = vector.broadcast %add3A_298 : i32 to vector<16xi32>
      %gather3A_300 = tpu.vector_load_idx %arg4[%broadcast_in_dim3A_299] : memref<128xf32, #tpu.memory_space<vmem>>[vector<16xi32>], vector<16xf32>,
      %add3A_301 = arith.constant 28 : i32
      %add3A_302 = arith.addi %sub3A_188, %add3A_301 : i32
      %broadcast_in_dim3A_303 = vector.broadcast %add3A_302 : i32 to vector<16xi32>
      %gather3A_304 = tpu.vector_load_idx %arg4[%broadcast_in_dim3A_303] : memref<128xf32, #tpu.memory_space<vmem>>[vector<16xi32>], vector<16xf32>,
      %add3A_305 = arith.constant 29 : i32
      %add3A_306 = arith.addi %sub3A_188, %add3A_305 : i32
      %broadcast_in_dim3A_307 = vector.broadcast %add3A_306 : i32 to vector<16xi32>
      %gather3A_308 = tpu.vector_load_idx %arg4[%broadcast_in_dim3A_307] : memref<128xf32, #tpu.memory_space<vmem>>[vector<16xi32>], vector<16xf32>,
      %add3A_309 = arith.constant 30 : i32
      %add3A_310 = arith.addi %sub3A_188, %add3A_309 : i32
      %broadcast_in_dim3A_311 = vector.broadcast %add3A_310 : i32 to vector<16xi32>
      %gather3A_312 = tpu.vector_load_idx %arg4[%broadcast_in_dim3A_311] : memref<128xf32, #tpu.memory_space<vmem>>[vector<16xi32>], vector<16xf32>,
      %add3A_313 = arith.constant 31 : i32
      %add3A_314 = arith.addi %sub3A_188, %add3A_313 : i32
      %broadcast_in_dim3A_315 = vector.broadcast %add3A_314 : i32 to vector<16xi32>
      %gather3A_316 = tpu.vector_load_idx %arg4[%broadcast_in_dim3A_315] : memref<128xf32, #tpu.memory_space<vmem>>[vector<16xi32>], vector<16xf32>,
      %scan3A_317 = arith.constant 0 : i32
      %scan3A_318 = arith.constant 0 : i32
      %scan3A_319 = arith.constant 32 : i32
      %scan3A_320 = arith.addi %scan3A_318, %scan3A_319 : i32
      %scan3A_321 = arith.constant 1 : i32
      scf.for %scan3A_339 = %scan3A_318 to %scan3A_320 step %scan3A_321  : i32 {
        %sub3A_340 = arith.constant 95 : i32
        %sub3A_341 = arith.subi %sub3A_340, %scan3A_339 : i32
        %add3A_342 = vector.broadcast %sub3A_341 : i32 to vector<16xi32>
        %add3A_343 = arith.addi %add3A_342, %iota3A : vector<16xi32>
        %gather3A_344 = tpu.vector_load_idx %arg4[%add3A_343] : memref<128xf32, #tpu.memory_space<vmem>>[vector<16xi32>], vector<16xf32>,
        %add3A_345 = arith.constant 16 : i32
        %add3A_346 = vector.broadcast %add3A_345 : i32 to vector<16xi32>
        %add3A_347 = arith.addi %add3A_343, %add3A_346 : vector<16xi32>
        %gather3A_348 = tpu.vector_load_idx %arg4[%add3A_347] : memref<128xf32, #tpu.memory_space<vmem>>[vector<16xi32>], vector<16xf32>,
        %add3A_349 = arith.addf %gather3A_344, %gather3A_192 : vector<16xf32>
        %swap3A = arith.index_cast %scan3A_339 : i32 to index
        %swap3A_350 = arith.constant 0 : index
        %swap3A_351 = tpu.vector_load %arg6[%swap3A, %swap3A_350] {strides = array<i32>} : memref<32x1024xf32, #tpu.memory_space<vmem>>, vector<16xf32>,
        tpu.vector_store %arg6[%swap3A, %swap3A_350], %add3A_349 {strides = array<i32>} : memref<32x1024xf32, #tpu.memory_space<vmem>>, vector<16xf32>,
        %add3A_352 = arith.addf %gather3A_348, %gather3A_192 : vector<16xf32>
        %swap3A_353 = arith.index_cast %scan3A_339 : i32 to index
        %swap3A_354 = arith.constant 16 : index
        %swap3A_355 = tpu.vector_load %arg6[%swap3A_353, %swap3A_354] {strides = array<i32>} : memref<32x1024xf32, #tpu.memory_space<vmem>>, vector<16xf32>,
        tpu.vector_store %arg6[%swap3A_353, %swap3A_354], %add3A_352 {strides = array<i32>} : memref<32x1024xf32, #tpu.memory_space<vmem>>, vector<16xf32>,
        %add3A_356 = arith.addf %gather3A_344, %gather3A_196 : vector<16xf32>
        %swap3A_357 = arith.index_cast %scan3A_339 : i32 to index
        %swap3A_358 = arith.constant 32 : index
        %swap3A_359 = tpu.vector_load %arg6[%swap3A_357, %swap3A_358] {strides = array<i32>} : memref<32x1024xf32, #tpu.memory_space<vmem>>, vector<16xf32>,
        tpu.vector_store %arg6[%swap3A_357, %swap3A_358], %add3A_356 {strides = array<i32>} : memref<32x1024xf32, #tpu.memory_space<vmem>>, vector<16xf32>,
        %add3A_360 = arith.addf %gather3A_348, %gather3A_196 : vector<16xf32>
        %swap3A_361 = arith.index_cast %scan3A_339 : i32 to index
        %swap3A_362 = arith.constant 48 : index
        %swap3A_363 = tpu.vector_load %arg6[%swap3A_361, %swap3A_362] {strides = array<i32>} : memref<32x1024xf32, #tpu.memory_space<vmem>>, vector<16xf32>,
        tpu.vector_store %arg6[%swap3A_361, %swap3A_362], %add3A_360 {strides = array<i32>} : memref<32x1024xf32, #tpu.memory_space<vmem>>, vector<16xf32>,
        %add3A_364 = arith.addf %gather3A_344, %gather3A_200 : vector<16xf32>
        %swap3A_365 = arith.index_cast %scan3A_339 : i32 to index
        %swap3A_366 = arith.constant 64 : index
        %swap3A_367 = tpu.vector_load %arg6[%swap3A_365, %swap3A_366] {strides = array<i32>} : memref<32x1024xf32, #tpu.memory_space<vmem>>, vector<16xf32>,
        tpu.vector_store %arg6[%swap3A_365, %swap3A_366], %add3A_364 {strides = array<i32>} : memref<32x1024xf32, #tpu.memory_space<vmem>>, vector<16xf32>,
        %add3A_368 = arith.addf %gather3A_348, %gather3A_200 : vector<16xf32>
        %swap3A_369 = arith.index_cast %scan3A_339 : i32 to index
        %swap3A_370 = arith.constant 80 : index
        %swap3A_371 = tpu.vector_load %arg6[%swap3A_369, %swap3A_370] {strides = array<i32>} : memref<32x1024xf32, #tpu.memory_space<vmem>>, vector<16xf32>,
        tpu.vector_store %arg6[%swap3A_369, %swap3A_370], %add3A_368 {strides = array<i32>} : memref<32x1024xf32, #tpu.memory_space<vmem>>, vector<16xf32>,
        %add3A_372 = arith.addf %gather3A_344, %gather3A_204 : vector<16xf32>
        %swap3A_373 = arith.index_cast %scan3A_339 : i32 to index
        %swap3A_374 = arith.constant 96 : index
        %swap3A_375 = tpu.vector_load %arg6[%swap3A_373, %swap3A_374] {strides = array<i32>} : memref<32x1024xf32, #tpu.memory_space<vmem>>, vector<16xf32>,
        tpu.vector_store %arg6[%swap3A_373, %swap3A_374], %add3A_372 {strides = array<i32>} : memref<32x1024xf32, #tpu.memory_space<vmem>>, vector<16xf32>,
        %add3A_376 = arith.addf %gather3A_348, %gather3A_204 : vector<16xf32>
        %swap3A_377 = arith.index_cast %scan3A_339 : i32 to index
        %swap3A_378 = arith.constant 112 : index
        %swap3A_379 = tpu.vector_load %arg6[%swap3A_377, %swap3A_378] {strides = array<i32>} : memref<32x1024xf32, #tpu.memory_space<vmem>>, vector<16xf32>,
        tpu.vector_store %arg6[%swap3A_377, %swap3A_378], %add3A_376 {strides = array<i32>} : memref<32x1024xf32, #tpu.memory_space<vmem>>, vector<16xf32>,
        %add3A_380 = arith.addf %gather3A_344, %gather3A_208 : vector<16xf32>
        %swap3A_381 = arith.index_cast %scan3A_339 : i32 to index
        %swap3A_382 = arith.constant 128 : index
        %swap3A_383 = tpu.vector_load %arg6[%swap3A_381, %swap3A_382] {strides = array<i32>} : memref<32x1024xf32, #tpu.memory_space<vmem>>, vector<16xf32>,
        tpu.vector_store %arg6[%swap3A_381, %swap3A_382], %add3A_380 {strides = array<i32>} : memref<32x1024xf32, #tpu.memory_space<vmem>>, vector<16xf32>,
        %add3A_384 = arith.addf %gather3A_348, %gather3A_208 : vector<16xf32>
        %swap3A_385 = arith.index_cast %scan3A_339 : i32 to index
        %swap3A_386 = arith.constant 144 : index
        %swap3A_387 = tpu.vector_load %arg6[%swap3A_385, %swap3A_386] {strides = array<i32>} : memref<32x1024xf32, #tpu.memory_space<vmem>>, vector<16xf32>,
        tpu.vector_store %arg6[%swap3A_385, %swap3A_386], %add3A_384 {strides = array<i32>} : memref<32x1024xf32, #tpu.memory_space<vmem>>, vector<16xf32>,
        %add3A_388 = arith.addf %gather3A_344, %gather3A_212 : vector<16xf32>
        %swap3A_389 = arith.index_cast %scan3A_339 : i32 to index
        %swap3A_390 = arith.constant 160 : index
        %swap3A_391 = tpu.vector_load %arg6[%swap3A_389, %swap3A_390] {strides = array<i32>} : memref<32x1024xf32, #tpu.memory_space<vmem>>, vector<16xf32>,
        tpu.vector_store %arg6[%swap3A_389, %swap3A_390], %add3A_388 {strides = array<i32>} : memref<32x1024xf32, #tpu.memory_space<vmem>>, vector<16xf32>,
        %add3A_392 = arith.addf %gather3A_348, %gather3A_212 : vector<16xf32>
        %swap3A_393 = arith.index_cast %scan3A_339 : i32 to index
        %swap3A_394 = arith.constant 176 : index
        %swap3A_395 = tpu.vector_load %arg6[%swap3A_393, %swap3A_394] {strides = array<i32>} : memref<32x1024xf32, #tpu.memory_space<vmem>>, vector<16xf32>,
        tpu.vector_store %arg6[%swap3A_393, %swap3A_394], %add3A_392 {strides = array<i32>} : memref<32x1024xf32, #tpu.memory_space<vmem>>, vector<16xf32>,
        %add3A_396 = arith.addf %gather3A_344, %gather3A_216 : vector<16xf32>
        %swap3A_397 = arith.index_cast %scan3A_339 : i32 to index
        %swap3A_398 = arith.constant 192 : index
        %swap3A_399 = tpu.vector_load %arg6[%swap3A_397, %swap3A_398] {strides = array<i32>} : memref<32x1024xf32, #tpu.memory_space<vmem>>, vector<16xf32>,
        tpu.vector_store %arg6[%swap3A_397, %swap3A_398], %add3A_396 {strides = array<i32>} : memref<32x1024xf32, #tpu.memory_space<vmem>>, vector<16xf32>,
        %add3A_400 = arith.addf %gather3A_348, %gather3A_216 : vector<16xf32>
        %swap3A_401 = arith.index_cast %scan3A_339 : i32 to index
        %swap3A_402 = arith.constant 208 : index
        %swap3A_403 = tpu.vector_load %arg6[%swap3A_401, %swap3A_402] {strides = array<i32>} : memref<32x1024xf32, #tpu.memory_space<vmem>>, vector<16xf32>,
        tpu.vector_store %arg6[%swap3A_401, %swap3A_402], %add3A_400 {strides = array<i32>} : memref<32x1024xf32, #tpu.memory_space<vmem>>, vector<16xf32>,
        %add3A_404 = arith.addf %gather3A_344, %gather3A_220 : vector<16xf32>
        %swap3A_405 = arith.index_cast %scan3A_339 : i32 to index
        %swap3A_406 = arith.constant 224 : index
        %swap3A_407 = tpu.vector_load %arg6[%swap3A_405, %swap3A_406] {strides = array<i32>} : memref<32x1024xf32, #tpu.memory_space<vmem>>, vector<16xf32>,
        tpu.vector_store %arg6[%swap3A_405, %swap3A_406], %add3A_404 {strides = array<i32>} : memref<32x1024xf32, #tpu.memory_space<vmem>>, vector<16xf32>,
        %add3A_408 = arith.addf %gather3A_348, %gather3A_220 : vector<16xf32>
        %swap3A_409 = arith.index_cast %scan3A_339 : i32 to index
        %swap3A_410 = arith.constant 240 : index
        %swap3A_411 = tpu.vector_load %arg6[%swap3A_409, %swap3A_410] {strides = array<i32>} : memref<32x1024xf32, #tpu.memory_space<vmem>>, vector<16xf32>,
        tpu.vector_store %arg6[%swap3A_409, %swap3A_410], %add3A_408 {strides = array<i32>} : memref<32x1024xf32, #tpu.memory_space<vmem>>, vector<16xf32>,
        %add3A_412 = arith.addf %gather3A_344, %gather3A_224 : vector<16xf32>
        %swap3A_413 = arith.index_cast %scan3A_339 : i32 to index
        %swap3A_414 = arith.constant 256 : index
        %swap3A_415 = tpu.vector_load %arg6[%swap3A_413, %swap3A_414] {strides = array<i32>} : memref<32x1024xf32, #tpu.memory_space<vmem>>, vector<16xf32>,
        tpu.vector_store %arg6[%swap3A_413, %swap3A_414], %add3A_412 {strides = array<i32>} : memref<32x1024xf32, #tpu.memory_space<vmem>>, vector<16xf32>,
        %add3A_416 = arith.addf %gather3A_348, %gather3A_224 : vector<16xf32>
        %swap3A_417 = arith.index_cast %scan3A_339 : i32 to index
        %swap3A_418 = arith.constant 272 : index
        %swap3A_419 = tpu.vector_load %arg6[%swap3A_417, %swap3A_418] {strides = array<i32>} : memref<32x1024xf32, #tpu.memory_space<vmem>>, vector<16xf32>,
        tpu.vector_store %arg6[%swap3A_417, %swap3A_418], %add3A_416 {strides = array<i32>} : memref<32x1024xf32, #tpu.memory_space<vmem>>, vector<16xf32>,
        %add3A_420 = arith.addf %gather3A_344, %gather3A_228 : vector<16xf32>
        %swap3A_421 = arith.index_cast %scan3A_339 : i32 to index
        %swap3A_422 = arith.constant 288 : index
        %swap3A_423 = tpu.vector_load %arg6[%swap3A_421, %swap3A_422] {strides = array<i32>} : memref<32x1024xf32, #tpu.memory_space<vmem>>, vector<16xf32>,
        tpu.vector_store %arg6[%swap3A_421, %swap3A_422], %add3A_420 {strides = array<i32>} : memref<32x1024xf32, #tpu.memory_space<vmem>>, vector<16xf32>,
        %add3A_424 = arith.addf %gather3A_348, %gather3A_228 : vector<16xf32>
        %swap3A_425 = arith.index_cast %scan3A_339 : i32 to index
        %swap3A_426 = arith.constant 304 : index
        %swap3A_427 = tpu.vector_load %arg6[%swap3A_425, %swap3A_426] {strides = array<i32>} : memref<32x1024xf32, #tpu.memory_space<vmem>>, vector<16xf32>,
        tpu.vector_store %arg6[%swap3A_425, %swap3A_426], %add3A_424 {strides = array<i32>} : memref<32x1024xf32, #tpu.memory_space<vmem>>, vector<16xf32>,
        %add3A_428 = arith.addf %gather3A_344, %gather3A_232 : vector<16xf32>
        %swap3A_429 = arith.index_cast %scan3A_339 : i32 to index
        %swap3A_430 = arith.constant 320 : index
        %swap3A_431 = tpu.vector_load %arg6[%swap3A_429, %swap3A_430] {strides = array<i32>} : memref<32x1024xf32, #tpu.memory_space<vmem>>, vector<16xf32>,
        tpu.vector_store %arg6[%swap3A_429, %swap3A_430], %add3A_428 {strides = array<i32>} : memref<32x1024xf32, #tpu.memory_space<vmem>>, vector<16xf32>,
        %add3A_432 = arith.addf %gather3A_348, %gather3A_232 : vector<16xf32>
        %swap3A_433 = arith.index_cast %scan3A_339 : i32 to index
        %swap3A_434 = arith.constant 336 : index
        %swap3A_435 = tpu.vector_load %arg6[%swap3A_433, %swap3A_434] {strides = array<i32>} : memref<32x1024xf32, #tpu.memory_space<vmem>>, vector<16xf32>,
        tpu.vector_store %arg6[%swap3A_433, %swap3A_434], %add3A_432 {strides = array<i32>} : memref<32x1024xf32, #tpu.memory_space<vmem>>, vector<16xf32>,
        %add3A_436 = arith.addf %gather3A_344, %gather3A_236 : vector<16xf32>
        %swap3A_437 = arith.index_cast %scan3A_339 : i32 to index
        %swap3A_438 = arith.constant 352 : index
        %swap3A_439 = tpu.vector_load %arg6[%swap3A_437, %swap3A_438] {strides = array<i32>} : memref<32x1024xf32, #tpu.memory_space<vmem>>, vector<16xf32>,
        tpu.vector_store %arg6[%swap3A_437, %swap3A_438], %add3A_436 {strides = array<i32>} : memref<32x1024xf32, #tpu.memory_space<vmem>>, vector<16xf32>,
        %add3A_440 = arith.addf %gather3A_348, %gather3A_236 : vector<16xf32>
        %swap3A_441 = arith.index_cast %scan3A_339 : i32 to index
        %swap3A_442 = arith.constant 368 : index
        %swap3A_443 = tpu.vector_load %arg6[%swap3A_441, %swap3A_442] {strides = array<i32>} : memref<32x1024xf32, #tpu.memory_space<vmem>>, vector<16xf32>,
        tpu.vector_store %arg6[%swap3A_441, %swap3A_442], %add3A_440 {strides = array<i32>} : memref<32x1024xf32, #tpu.memory_space<vmem>>, vector<16xf32>,
        %add3A_444 = arith.addf %gather3A_344, %gather3A_240 : vector<16xf32>
        %swap3A_445 = arith.index_cast %scan3A_339 : i32 to index
        %swap3A_446 = arith.constant 384 : index
        %swap3A_447 = tpu.vector_load %arg6[%swap3A_445, %swap3A_446] {strides = array<i32>} : memref<32x1024xf32, #tpu.memory_space<vmem>>, vector<16xf32>,
        tpu.vector_store %arg6[%swap3A_445, %swap3A_446], %add3A_444 {strides = array<i32>} : memref<32x1024xf32, #tpu.memory_space<vmem>>, vector<16xf32>,
        %add3A_448 = arith.addf %gather3A_348, %gather3A_240 : vector<16xf32>
        %swap3A_449 = arith.index_cast %scan3A_339 : i32 to index
        %swap3A_450 = arith.constant 400 : index
        %swap3A_451 = tpu.vector_load %arg6[%swap3A_449, %swap3A_450] {strides = array<i32>} : memref<32x1024xf32, #tpu.memory_space<vmem>>, vector<16xf32>,
        tpu.vector_store %arg6[%swap3A_449, %swap3A_450], %add3A_448 {strides = array<i32>} : memref<32x1024xf32, #tpu.memory_space<vmem>>, vector<16xf32>,
        %add3A_452 = arith.addf %gather3A_344, %gather3A_244 : vector<16xf32>
        %swap3A_453 = arith.index_cast %scan3A_339 : i32 to index
        %swap3A_454 = arith.constant 416 : index
        %swap3A_455 = tpu.vector_load %arg6[%swap3A_453, %swap3A_454] {strides = array<i32>} : memref<32x1024xf32, #tpu.memory_space<vmem>>, vector<16xf32>,
        tpu.vector_store %arg6[%swap3A_453, %swap3A_454], %add3A_452 {strides = array<i32>} : memref<32x1024xf32, #tpu.memory_space<vmem>>, vector<16xf32>,
        %add3A_456 = arith.addf %gather3A_348, %gather3A_244 : vector<16xf32>
        %swap3A_457 = arith.index_cast %scan3A_339 : i32 to index
        %swap3A_458 = arith.constant 432 : index
        %swap3A_459 = tpu.vector_load %arg6[%swap3A_457, %swap3A_458] {strides = array<i32>} : memref<32x1024xf32, #tpu.memory_space<vmem>>, vector<16xf32>,
        tpu.vector_store %arg6[%swap3A_457, %swap3A_458], %add3A_456 {strides = array<i32>} : memref<32x1024xf32, #tpu.memory_space<vmem>>, vector<16xf32>,
        %add3A_460 = arith.addf %gather3A_344, %gather3A_248 : vector<16xf32>
        %swap3A_461 = arith.index_cast %scan3A_339 : i32 to index
        %swap3A_462 = arith.constant 448 : index
        %swap3A_463 = tpu.vector_load %arg6[%swap3A_461, %swap3A_462] {strides = array<i32>} : memref<32x1024xf32, #tpu.memory_space<vmem>>, vector<16xf32>,
        tpu.vector_store %arg6[%swap3A_461, %swap3A_462], %add3A_460 {strides = array<i32>} : memref<32x1024xf32, #tpu.memory_space<vmem>>, vector<16xf32>,
        %add3A_464 = arith.addf %gather3A_348, %gather3A_248 : vector<16xf32>
        %swap3A_465 = arith.index_cast %scan3A_339 : i32 to index
        %swap3A_466 = arith.constant 464 : index
        %swap3A_467 = tpu.vector_load %arg6[%swap3A_465, %swap3A_466] {strides = array<i32>} : memref<32x1024xf32, #tpu.memory_space<vmem>>, vector<16xf32>,
        tpu.vector_store %arg6[%swap3A_465, %swap3A_466], %add3A_464 {strides = array<i32>} : memref<32x1024xf32, #tpu.memory_space<vmem>>, vector<16xf32>,
        %add3A_468 = arith.addf %gather3A_344, %gather3A_252 : vector<16xf32>
        %swap3A_469 = arith.index_cast %scan3A_339 : i32 to index
        %swap3A_470 = arith.constant 480 : index
        %swap3A_471 = tpu.vector_load %arg6[%swap3A_469, %swap3A_470] {strides = array<i32>} : memref<32x1024xf32, #tpu.memory_space<vmem>>, vector<16xf32>,
        tpu.vector_store %arg6[%swap3A_469, %swap3A_470], %add3A_468 {strides = array<i32>} : memref<32x1024xf32, #tpu.memory_space<vmem>>, vector<16xf32>,
        %add3A_472 = arith.addf %gather3A_348, %gather3A_252 : vector<16xf32>
        %swap3A_473 = arith.index_cast %scan3A_339 : i32 to index
        %swap3A_474 = arith.constant 496 : index
        %swap3A_475 = tpu.vector_load %arg6[%swap3A_473, %swap3A_474] {strides = array<i32>} : memref<32x1024xf32, #tpu.memory_space<vmem>>, vector<16xf32>,
        tpu.vector_store %arg6[%swap3A_473, %swap3A_474], %add3A_472 {strides = array<i32>} : memref<32x1024xf32, #tpu.memory_space<vmem>>, vector<16xf32>,
        %add3A_476 = arith.addf %gather3A_344, %gather3A_256 : vector<16xf32>
        %swap3A_477 = arith.index_cast %scan3A_339 : i32 to index
        %swap3A_478 = arith.constant 512 : index
        %swap3A_479 = tpu.vector_load %arg6[%swap3A_477, %swap3A_478] {strides = array<i32>} : memref<32x1024xf32, #tpu.memory_space<vmem>>, vector<16xf32>,
        tpu.vector_store %arg6[%swap3A_477, %swap3A_478], %add3A_476 {strides = array<i32>} : memref<32x1024xf32, #tpu.memory_space<vmem>>, vector<16xf32>,
        %add3A_480 = arith.addf %gather3A_348, %gather3A_256 : vector<16xf32>
        %swap3A_481 = arith.index_cast %scan3A_339 : i32 to index
        %swap3A_482 = arith.constant 528 : index
        %swap3A_483 = tpu.vector_load %arg6[%swap3A_481, %swap3A_482] {strides = array<i32>} : memref<32x1024xf32, #tpu.memory_space<vmem>>, vector<16xf32>,
        tpu.vector_store %arg6[%swap3A_481, %swap3A_482], %add3A_480 {strides = array<i32>} : memref<32x1024xf32, #tpu.memory_space<vmem>>, vector<16xf32>,
        %add3A_484 = arith.addf %gather3A_344, %gather3A_260 : vector<16xf32>
        %swap3A_485 = arith.index_cast %scan3A_339 : i32 to index
        %swap3A_486 = arith.constant 544 : index
        %swap3A_487 = tpu.vector_load %arg6[%swap3A_485, %swap3A_486] {strides = array<i32>} : memref<32x1024xf32, #tpu.memory_space<vmem>>, vector<16xf32>,
        tpu.vector_store %arg6[%swap3A_485, %swap3A_486], %add3A_484 {strides = array<i32>} : memref<32x1024xf32, #tpu.memory_space<vmem>>, vector<16xf32>,
        %add3A_488 = arith.addf %gather3A_348, %gather3A_260 : vector<16xf32>
        %swap3A_489 = arith.index_cast %scan3A_339 : i32 to index
        %swap3A_490 = arith.constant 560 : index
        %swap3A_491 = tpu.vector_load %arg6[%swap3A_489, %swap3A_490] {strides = array<i32>} : memref<32x1024xf32, #tpu.memory_space<vmem>>, vector<16xf32>,
        tpu.vector_store %arg6[%swap3A_489, %swap3A_490], %add3A_488 {strides = array<i32>} : memref<32x1024xf32, #tpu.memory_space<vmem>>, vector<16xf32>,
        %add3A_492 = arith.addf %gather3A_344, %gather3A_264 : vector<16xf32>
        %swap3A_493 = arith.index_cast %scan3A_339 : i32 to index
        %swap3A_494 = arith.constant 576 : index
        %swap3A_495 = tpu.vector_load %arg6[%swap3A_493, %swap3A_494] {strides = array<i32>} : memref<32x1024xf32, #tpu.memory_space<vmem>>, vector<16xf32>,
        tpu.vector_store %arg6[%swap3A_493, %swap3A_494], %add3A_492 {strides = array<i32>} : memref<32x1024xf32, #tpu.memory_space<vmem>>, vector<16xf32>,
        %add3A_496 = arith.addf %gather3A_348, %gather3A_264 : vector<16xf32>
        %swap3A_497 = arith.index_cast %scan3A_339 : i32 to index
        %swap3A_498 = arith.constant 592 : index
        %swap3A_499 = tpu.vector_load %arg6[%swap3A_497, %swap3A_498] {strides = array<i32>} : memref<32x1024xf32, #tpu.memory_space<vmem>>, vector<16xf32>,
        tpu.vector_store %arg6[%swap3A_497, %swap3A_498], %add3A_496 {strides = array<i32>} : memref<32x1024xf32, #tpu.memory_space<vmem>>, vector<16xf32>,
        %add3A_500 = arith.addf %gather3A_344, %gather3A_268 : vector<16xf32>
        %swap3A_501 = arith.index_cast %scan3A_339 : i32 to index
        %swap3A_502 = arith.constant 608 : index
        %swap3A_503 = tpu.vector_load %arg6[%swap3A_501, %swap3A_502] {strides = array<i32>} : memref<32x1024xf32, #tpu.memory_space<vmem>>, vector<16xf32>,
        tpu.vector_store %arg6[%swap3A_501, %swap3A_502], %add3A_500 {strides = array<i32>} : memref<32x1024xf32, #tpu.memory_space<vmem>>, vector<16xf32>,
        %add3A_504 = arith.addf %gather3A_348, %gather3A_268 : vector<16xf32>
        %swap3A_505 = arith.index_cast %scan3A_339 : i32 to index
        %swap3A_506 = arith.constant 624 : index
        %swap3A_507 = tpu.vector_load %arg6[%swap3A_505, %swap3A_506] {strides = array<i32>} : memref<32x1024xf32, #tpu.memory_space<vmem>>, vector<16xf32>,
        tpu.vector_store %arg6[%swap3A_505, %swap3A_506], %add3A_504 {strides = array<i32>} : memref<32x1024xf32, #tpu.memory_space<vmem>>, vector<16xf32>,
        %add3A_508 = arith.addf %gather3A_344, %gather3A_272 : vector<16xf32>
        %swap3A_509 = arith.index_cast %scan3A_339 : i32 to index
        %swap3A_510 = arith.constant 640 : index
        %swap3A_511 = tpu.vector_load %arg6[%swap3A_509, %swap3A_510] {strides = array<i32>} : memref<32x1024xf32, #tpu.memory_space<vmem>>, vector<16xf32>,
        tpu.vector_store %arg6[%swap3A_509, %swap3A_510], %add3A_508 {strides = array<i32>} : memref<32x1024xf32, #tpu.memory_space<vmem>>, vector<16xf32>,
        %add3A_512 = arith.addf %gather3A_348, %gather3A_272 : vector<16xf32>
        %swap3A_513 = arith.index_cast %scan3A_339 : i32 to index
        %swap3A_514 = arith.constant 656 : index
        %swap3A_515 = tpu.vector_load %arg6[%swap3A_513, %swap3A_514] {strides = array<i32>} : memref<32x1024xf32, #tpu.memory_space<vmem>>, vector<16xf32>,
        tpu.vector_store %arg6[%swap3A_513, %swap3A_514], %add3A_512 {strides = array<i32>} : memref<32x1024xf32, #tpu.memory_space<vmem>>, vector<16xf32>,
        %add3A_516 = arith.addf %gather3A_344, %gather3A_276 : vector<16xf32>
        %swap3A_517 = arith.index_cast %scan3A_339 : i32 to index
        %swap3A_518 = arith.constant 672 : index
        %swap3A_519 = tpu.vector_load %arg6[%swap3A_517, %swap3A_518] {strides = array<i32>} : memref<32x1024xf32, #tpu.memory_space<vmem>>, vector<16xf32>,
        tpu.vector_store %arg6[%swap3A_517, %swap3A_518], %add3A_516 {strides = array<i32>} : memref<32x1024xf32, #tpu.memory_space<vmem>>, vector<16xf32>,
        %add3A_520 = arith.addf %gather3A_348, %gather3A_276 : vector<16xf32>
        %swap3A_521 = arith.index_cast %scan3A_339 : i32 to index
        %swap3A_522 = arith.constant 688 : index
        %swap3A_523 = tpu.vector_load %arg6[%swap3A_521, %swap3A_522] {strides = array<i32>} : memref<32x1024xf32, #tpu.memory_space<vmem>>, vector<16xf32>,
        tpu.vector_store %arg6[%swap3A_521, %swap3A_522], %add3A_520 {strides = array<i32>} : memref<32x1024xf32, #tpu.memory_space<vmem>>, vector<16xf32>,
        %add3A_524 = arith.addf %gather3A_344, %gather3A_280 : vector<16xf32>
        %swap3A_525 = arith.index_cast %scan3A_339 : i32 to index
        %swap3A_526 = arith.constant 704 : index
        %swap3A_527 = tpu.vector_load %arg6[%swap3A_525, %swap3A_526] {strides = array<i32>} : memref<32x1024xf32, #tpu.memory_space<vmem>>, vector<16xf32>,
        tpu.vector_store %arg6[%swap3A_525, %swap3A_526], %add3A_524 {strides = array<i32>} : memref<32x1024xf32, #tpu.memory_space<vmem>>, vector<16xf32>,
        %add3A_528 = arith.addf %gather3A_348, %gather3A_280 : vector<16xf32>
        %swap3A_529 = arith.index_cast %scan3A_339 : i32 to index
        %swap3A_530 = arith.constant 720 : index
        %swap3A_531 = tpu.vector_load %arg6[%swap3A_529, %swap3A_530] {strides = array<i32>} : memref<32x1024xf32, #tpu.memory_space<vmem>>, vector<16xf32>,
        tpu.vector_store %arg6[%swap3A_529, %swap3A_530], %add3A_528 {strides = array<i32>} : memref<32x1024xf32, #tpu.memory_space<vmem>>, vector<16xf32>,
        %add3A_532 = arith.addf %gather3A_344, %gather3A_284 : vector<16xf32>
        %swap3A_533 = arith.index_cast %scan3A_339 : i32 to index
        %swap3A_534 = arith.constant 736 : index
        %swap3A_535 = tpu.vector_load %arg6[%swap3A_533, %swap3A_534] {strides = array<i32>} : memref<32x1024xf32, #tpu.memory_space<vmem>>, vector<16xf32>,
        tpu.vector_store %arg6[%swap3A_533, %swap3A_534], %add3A_532 {strides = array<i32>} : memref<32x1024xf32, #tpu.memory_space<vmem>>, vector<16xf32>,
        %add3A_536 = arith.addf %gather3A_348, %gather3A_284 : vector<16xf32>
        %swap3A_537 = arith.index_cast %scan3A_339 : i32 to index
        %swap3A_538 = arith.constant 752 : index
        %swap3A_539 = tpu.vector_load %arg6[%swap3A_537, %swap3A_538] {strides = array<i32>} : memref<32x1024xf32, #tpu.memory_space<vmem>>, vector<16xf32>,
        tpu.vector_store %arg6[%swap3A_537, %swap3A_538], %add3A_536 {strides = array<i32>} : memref<32x1024xf32, #tpu.memory_space<vmem>>, vector<16xf32>,
        %add3A_540 = arith.addf %gather3A_344, %gather3A_288 : vector<16xf32>
        %swap3A_541 = arith.index_cast %scan3A_339 : i32 to index
        %swap3A_542 = arith.constant 768 : index
        %swap3A_543 = tpu.vector_load %arg6[%swap3A_541, %swap3A_542] {strides = array<i32>} : memref<32x1024xf32, #tpu.memory_space<vmem>>, vector<16xf32>,
        tpu.vector_store %arg6[%swap3A_541, %swap3A_542], %add3A_540 {strides = array<i32>} : memref<32x1024xf32, #tpu.memory_space<vmem>>, vector<16xf32>,
        %add3A_544 = arith.addf %gather3A_348, %gather3A_288 : vector<16xf32>
        %swap3A_545 = arith.index_cast %scan3A_339 : i32 to index
        %swap3A_546 = arith.constant 784 : index
        %swap3A_547 = tpu.vector_load %arg6[%swap3A_545, %swap3A_546] {strides = array<i32>} : memref<32x1024xf32, #tpu.memory_space<vmem>>, vector<16xf32>,
        tpu.vector_store %arg6[%swap3A_545, %swap3A_546], %add3A_544 {strides = array<i32>} : memref<32x1024xf32, #tpu.memory_space<vmem>>, vector<16xf32>,
        %add3A_548 = arith.addf %gather3A_344, %gather3A_292 : vector<16xf32>
        %swap3A_549 = arith.index_cast %scan3A_339 : i32 to index
        %swap3A_550 = arith.constant 800 : index
        %swap3A_551 = tpu.vector_load %arg6[%swap3A_549, %swap3A_550] {strides = array<i32>} : memref<32x1024xf32, #tpu.memory_space<vmem>>, vector<16xf32>,
        tpu.vector_store %arg6[%swap3A_549, %swap3A_550], %add3A_548 {strides = array<i32>} : memref<32x1024xf32, #tpu.memory_space<vmem>>, vector<16xf32>,
        %add3A_552 = arith.addf %gather3A_348, %gather3A_292 : vector<16xf32>
        %swap3A_553 = arith.index_cast %scan3A_339 : i32 to index
        %swap3A_554 = arith.constant 816 : index
        %swap3A_555 = tpu.vector_load %arg6[%swap3A_553, %swap3A_554] {strides = array<i32>} : memref<32x1024xf32, #tpu.memory_space<vmem>>, vector<16xf32>,
        tpu.vector_store %arg6[%swap3A_553, %swap3A_554], %add3A_552 {strides = array<i32>} : memref<32x1024xf32, #tpu.memory_space<vmem>>, vector<16xf32>,
        %add3A_556 = arith.addf %gather3A_344, %gather3A_296 : vector<16xf32>
        %swap3A_557 = arith.index_cast %scan3A_339 : i32 to index
        %swap3A_558 = arith.constant 832 : index
        %swap3A_559 = tpu.vector_load %arg6[%swap3A_557, %swap3A_558] {strides = array<i32>} : memref<32x1024xf32, #tpu.memory_space<vmem>>, vector<16xf32>,
        tpu.vector_store %arg6[%swap3A_557, %swap3A_558], %add3A_556 {strides = array<i32>} : memref<32x1024xf32, #tpu.memory_space<vmem>>, vector<16xf32>,
        %add3A_560 = arith.addf %gather3A_348, %gather3A_296 : vector<16xf32>
        %swap3A_561 = arith.index_cast %scan3A_339 : i32 to index
        %swap3A_562 = arith.constant 848 : index
        %swap3A_563 = tpu.vector_load %arg6[%swap3A_561, %swap3A_562] {strides = array<i32>} : memref<32x1024xf32, #tpu.memory_space<vmem>>, vector<16xf32>,
        tpu.vector_store %arg6[%swap3A_561, %swap3A_562], %add3A_560 {strides = array<i32>} : memref<32x1024xf32, #tpu.memory_space<vmem>>, vector<16xf32>,
        %add3A_564 = arith.addf %gather3A_344, %gather3A_300 : vector<16xf32>
        %swap3A_565 = arith.index_cast %scan3A_339 : i32 to index
        %swap3A_566 = arith.constant 864 : index
        %swap3A_567 = tpu.vector_load %arg6[%swap3A_565, %swap3A_566] {strides = array<i32>} : memref<32x1024xf32, #tpu.memory_space<vmem>>, vector<16xf32>,
        tpu.vector_store %arg6[%swap3A_565, %swap3A_566], %add3A_564 {strides = array<i32>} : memref<32x1024xf32, #tpu.memory_space<vmem>>, vector<16xf32>,
        %add3A_568 = arith.addf %gather3A_348, %gather3A_300 : vector<16xf32>
        %swap3A_569 = arith.index_cast %scan3A_339 : i32 to index
        %swap3A_570 = arith.constant 880 : index
        %swap3A_571 = tpu.vector_load %arg6[%swap3A_569, %swap3A_570] {strides = array<i32>} : memref<32x1024xf32, #tpu.memory_space<vmem>>, vector<16xf32>,
        tpu.vector_store %arg6[%swap3A_569, %swap3A_570], %add3A_568 {strides = array<i32>} : memref<32x1024xf32, #tpu.memory_space<vmem>>, vector<16xf32>,
        %add3A_572 = arith.addf %gather3A_344, %gather3A_304 : vector<16xf32>
        %swap3A_573 = arith.index_cast %scan3A_339 : i32 to index
        %swap3A_574 = arith.constant 896 : index
        %swap3A_575 = tpu.vector_load %arg6[%swap3A_573, %swap3A_574] {strides = array<i32>} : memref<32x1024xf32, #tpu.memory_space<vmem>>, vector<16xf32>,
        tpu.vector_store %arg6[%swap3A_573, %swap3A_574], %add3A_572 {strides = array<i32>} : memref<32x1024xf32, #tpu.memory_space<vmem>>, vector<16xf32>,
        %add3A_576 = arith.addf %gather3A_348, %gather3A_304 : vector<16xf32>
        %swap3A_577 = arith.index_cast %scan3A_339 : i32 to index
        %swap3A_578 = arith.constant 912 : index
        %swap3A_579 = tpu.vector_load %arg6[%swap3A_577, %swap3A_578] {strides = array<i32>} : memref<32x1024xf32, #tpu.memory_space<vmem>>, vector<16xf32>,
        tpu.vector_store %arg6[%swap3A_577, %swap3A_578], %add3A_576 {strides = array<i32>} : memref<32x1024xf32, #tpu.memory_space<vmem>>, vector<16xf32>,
        %add3A_580 = arith.addf %gather3A_344, %gather3A_308 : vector<16xf32>
        %swap3A_581 = arith.index_cast %scan3A_339 : i32 to index
        %swap3A_582 = arith.constant 928 : index
        %swap3A_583 = tpu.vector_load %arg6[%swap3A_581, %swap3A_582] {strides = array<i32>} : memref<32x1024xf32, #tpu.memory_space<vmem>>, vector<16xf32>,
        tpu.vector_store %arg6[%swap3A_581, %swap3A_582], %add3A_580 {strides = array<i32>} : memref<32x1024xf32, #tpu.memory_space<vmem>>, vector<16xf32>,
        %add3A_584 = arith.addf %gather3A_348, %gather3A_308 : vector<16xf32>
        %swap3A_585 = arith.index_cast %scan3A_339 : i32 to index
        %swap3A_586 = arith.constant 944 : index
        %swap3A_587 = tpu.vector_load %arg6[%swap3A_585, %swap3A_586] {strides = array<i32>} : memref<32x1024xf32, #tpu.memory_space<vmem>>, vector<16xf32>,
        tpu.vector_store %arg6[%swap3A_585, %swap3A_586], %add3A_584 {strides = array<i32>} : memref<32x1024xf32, #tpu.memory_space<vmem>>, vector<16xf32>,
        %add3A_588 = arith.addf %gather3A_344, %gather3A_312 : vector<16xf32>
        %swap3A_589 = arith.index_cast %scan3A_339 : i32 to index
        %swap3A_590 = arith.constant 960 : index
        %swap3A_591 = tpu.vector_load %arg6[%swap3A_589, %swap3A_590] {strides = array<i32>} : memref<32x1024xf32, #tpu.memory_space<vmem>>, vector<16xf32>,
        tpu.vector_store %arg6[%swap3A_589, %swap3A_590], %add3A_588 {strides = array<i32>} : memref<32x1024xf32, #tpu.memory_space<vmem>>, vector<16xf32>,
        %add3A_592 = arith.addf %gather3A_348, %gather3A_312 : vector<16xf32>
        %swap3A_593 = arith.index_cast %scan3A_339 : i32 to index
        %swap3A_594 = arith.constant 976 : index
        %swap3A_595 = tpu.vector_load %arg6[%swap3A_593, %swap3A_594] {strides = array<i32>} : memref<32x1024xf32, #tpu.memory_space<vmem>>, vector<16xf32>,
        tpu.vector_store %arg6[%swap3A_593, %swap3A_594], %add3A_592 {strides = array<i32>} : memref<32x1024xf32, #tpu.memory_space<vmem>>, vector<16xf32>,
        %add3A_596 = arith.addf %gather3A_344, %gather3A_316 : vector<16xf32>
        %swap3A_597 = arith.index_cast %scan3A_339 : i32 to index
        %swap3A_598 = arith.constant 992 : index
        %swap3A_599 = tpu.vector_load %arg6[%swap3A_597, %swap3A_598] {strides = array<i32>} : memref<32x1024xf32, #tpu.memory_space<vmem>>, vector<16xf32>,
        tpu.vector_store %arg6[%swap3A_597, %swap3A_598], %add3A_596 {strides = array<i32>} : memref<32x1024xf32, #tpu.memory_space<vmem>>, vector<16xf32>,
        %add3A_600 = arith.addf %gather3A_348, %gather3A_316 : vector<16xf32>
        %swap3A_601 = arith.index_cast %scan3A_339 : i32 to index
        %swap3A_602 = arith.constant 1008 : index
        %swap3A_603 = tpu.vector_load %arg6[%swap3A_601, %swap3A_602] {strides = array<i32>} : memref<32x1024xf32, #tpu.memory_space<vmem>>, vector<16xf32>,
        tpu.vector_store %arg6[%swap3A_601, %swap3A_602], %add3A_600 {strides = array<i32>} : memref<32x1024xf32, #tpu.memory_space<vmem>>, vector<16xf32>,
        %eq3A = arith.constant 15 : i32
        %eq3A_604 = arith.cmpi eq, %scan3A_339, %eq3A : i32
        %convert_element_type3A_605 = arith.extui %eq3A_604 : i1 to i32
        %cond3A_606 = arith.constant 0 : i32
        %cond3A_607 = arith.cmpi ne, %convert_element_type3A_605, %cond3A_606 : i32
        scf.if %cond3A_607 {
          %mul3A_608 = arith.constant 32 : i32
          %mul3A_609 = arith.muli %mul3A_608, %add3A_31 : i32
          %dma_start3A_610 = arith.constant 0 : i32
          %dma_start3A_611 = arith.constant 0 : i32
          %dma_start3A_612 = tpu.memref_slice %arg6[%dma_start3A_610, %dma_start3A_611] : memref<32x1024xf32, #tpu.memory_space<vmem>> -> memref<16x1024xf32, #tpu.memory_space<vmem>>
          %dma_start3A_613 = arith.constant 0 : i32
          %dma_start3A_614 = tpu.memref_slice %arg3[%arg1, %mul3A_609, %dma_start3A_613] : memref<16x1024x1024xf32, #tpu.memory_space<hbm>> -> memref<1x16x1024xf32, #tpu.memory_space<hbm>>
          %dma_start3A_615 = tpu.memref_squeeze %dma_start3A_614 : memref<1x16x1024xf32, #tpu.memory_space<hbm>> -> memref<16x1024xf32, #tpu.memory_space<hbm>>
          %dma_start3A_616 = arith.constant 0 : i32
          %dma_start3A_617 = tpu.memref_slice %arg3[%arg1, %mul3A_609, %dma_start3A_616] : memref<16x1024x1024xf32, #tpu.memory_space<hbm>> -> memref<1x16x1024xf32, #tpu.memory_space<hbm>>
          %dma_start3A_618 = tpu.memref_squeeze %dma_start3A_617 : memref<1x16x1024xf32, #tpu.memory_space<hbm>> -> memref<16x1024xf32, #tpu.memory_space<hbm>>
          %dma_start3A_619 = arith.constant 0 : i32
          %dma_start3A_620 = arith.constant 0 : i32
          %dma_start3A_621 = tpu.memref_slice %arg6[%dma_start3A_619, %dma_start3A_620] : memref<32x1024xf32, #tpu.memory_space<vmem>> -> memref<16x1024xf32, #tpu.memory_space<vmem>>
          tpu.enqueue_dma source(%dma_start3A_621 : memref<16x1024xf32, #tpu.memory_space<vmem>>) target(%dma_start3A_618 : memref<16x1024xf32, #tpu.memory_space<hbm>>) target_semaphore(%arg8 : memref<!tpu.dma_semaphore, #tpu.memory_space<semaphore_mem>>)
        } else {
        }
      }
      %scan3A_322 = arith.constant 32 : i32
      %mul3A_323 = arith.constant 32 : i32
      %mul3A_324 = arith.muli %mul3A_323, %add3A_31 : i32
      %add3A_325 = arith.constant 16 : i32
      %add3A_326 = arith.addi %mul3A_324, %add3A_325 : i32
      %dma_start3A_327 = arith.constant 16 : i32
      %dma_start3A_328 = arith.constant 0 : i32
      %dma_start3A_329 = tpu.memref_slice %arg6[%dma_start3A_327, %dma_start3A_328] : memref<32x1024xf32, #tpu.memory_space<vmem>> -> memref<16x1024xf32, #tpu.memory_space<vmem>>
      %dma_start3A_330 = arith.constant 0 : i32
      %dma_start3A_331 = tpu.memref_slice %arg3[%arg1, %add3A_326, %dma_start3A_330] : memref<16x1024x1024xf32, #tpu.memory_space<hbm>> -> memref<1x16x1024xf32, #tpu.memory_space<hbm>>
      %dma_start3A_332 = tpu.memref_squeeze %dma_start3A_331 : memref<1x16x1024xf32, #tpu.memory_space<hbm>> -> memref<16x1024xf32, #tpu.memory_space<hbm>>
      %dma_start3A_333 = arith.constant 0 : i32
      %dma_start3A_334 = tpu.memref_slice %arg3[%arg1, %add3A_326, %dma_start3A_333] : memref<16x1024x1024xf32, #tpu.memory_space<hbm>> -> memref<1x16x1024xf32, #tpu.memory_space<hbm>>
      %dma_start3A_335 = tpu.memref_squeeze %dma_start3A_334 : memref<1x16x1024xf32, #tpu.memory_space<hbm>> -> memref<16x1024xf32, #tpu.memory_space<hbm>>
      %dma_start3A_336 = arith.constant 16 : i32
      %dma_start3A_337 = arith.constant 0 : i32
      %dma_start3A_338 = tpu.memref_slice %arg6[%dma_start3A_336, %dma_start3A_337] : memref<32x1024xf32, #tpu.memory_space<vmem>> -> memref<16x1024xf32, #tpu.memory_space<vmem>>
      tpu.enqueue_dma source(%dma_start3A_338 : memref<16x1024xf32, #tpu.memory_space<vmem>>) target(%dma_start3A_335 : memref<16x1024xf32, #tpu.memory_space<hbm>>) target_semaphore(%arg8 : memref<!tpu.dma_semaphore, #tpu.memory_space<semaphore_mem>>)
    }
    %scan3A_4 = arith.constant 8 : i32
    %mul3A = arith.constant 16 : i32
    %mul3A_5 = arith.muli %mul3A, %arg0 : i32
    %add3A = arith.constant 14 : i32
    %add3A_6 = arith.addi %mul3A_5, %add3A : i32
    %mul3A_7 = arith.constant 32 : i32
    %mul3A_8 = arith.muli %mul3A_7, %add3A_6 : i32
    %dma_wait3A = arith.constant 0 : i32
    %dma_wait3A_9 = tpu.memref_slice %arg3[%arg1, %mul3A_8, %dma_wait3A] : memref<16x1024x1024xf32, #tpu.memory_space<hbm>> -> memref<1x32x1024xf32, #tpu.memory_space<hbm>>
    %dma_wait3A_10 = tpu.memref_squeeze %dma_wait3A_9 : memref<1x32x1024xf32, #tpu.memory_space<hbm>> -> memref<32x1024xf32, #tpu.memory_space<hbm>>
    %dma_wait3A_11 = arith.constant 0 : i32
    %dma_wait3A_12 = tpu.memref_slice %arg3[%arg1, %mul3A_8, %dma_wait3A_11] : memref<16x1024x1024xf32, #tpu.memory_space<hbm>> -> memref<1x32x1024xf32, #tpu.memory_space<hbm>>
    %dma_wait3A_13 = tpu.memref_squeeze %dma_wait3A_12 : memref<1x32x1024xf32, #tpu.memory_space<hbm>> -> memref<32x1024xf32, #tpu.memory_space<hbm>>
    tpu.wait_dma2 semaphore(%arg7 : memref<!tpu.dma_semaphore, #tpu.memory_space<semaphore_mem>>) src(%arg5 : memref<32x1024xf32, #tpu.memory_space<vmem>>) dst(%dma_wait3A_13 : memref<32x1024xf32, #tpu.memory_space<hbm>>)
    %add3A_14 = arith.constant 1 : i32
    %add3A_15 = arith.addi %add3A_6, %add3A_14 : i32
    %mul3A_16 = arith.constant 32 : i32
    %mul3A_17 = arith.muli %mul3A_16, %add3A_15 : i32
    %dma_wait3A_18 = arith.constant 0 : i32
    %dma_wait3A_19 = tpu.memref_slice %arg3[%arg1, %mul3A_17, %dma_wait3A_18] : memref<16x1024x1024xf32, #tpu.memory_space<hbm>> -> memref<1x32x1024xf32, #tpu.memory_space<hbm>>
    %dma_wait3A_20 = tpu.memref_squeeze %dma_wait3A_19 : memref<1x32x1024xf32, #tpu.memory_space<hbm>> -> memref<32x1024xf32, #tpu.memory_space<hbm>>
    %dma_wait3A_21 = arith.constant 0 : i32
    %dma_wait3A_22 = tpu.memref_slice %arg3[%arg1, %mul3A_17, %dma_wait3A_21] : memref<16x1024x1024xf32, #tpu.memory_space<hbm>> -> memref<1x32x1024xf32, #tpu.memory_space<hbm>>
    %dma_wait3A_23 = tpu.memref_squeeze %dma_wait3A_22 : memref<1x32x1024xf32, #tpu.memory_space<hbm>> -> memref<32x1024xf32, #tpu.memory_space<hbm>>
    tpu.wait_dma2 semaphore(%arg8 : memref<!tpu.dma_semaphore, #tpu.memory_space<semaphore_mem>>) src(%arg6 : memref<32x1024xf32, #tpu.memory_space<vmem>>) dst(%dma_wait3A_23 : memref<32x1024xf32, #tpu.memory_space<hbm>>)
    return
  }
}

</mosaic_0001>

<sc_bundles>
// kernel: _bias_sc.3.cloned.1.call-start
scs
__scs_entry_jumppad:
0x0: {  	(pc) =	sbr.rel $0x88, $3  }
0x1: {  	(tag) =	ssettag $0x0;
	lr =	simm.s32 $0x1  }
0x2: {  	[smem:$0x3FA0] =	sst lr;
	_ =	strace $0xD0000000  }
0x3: {  	_ = 	snop  }
0x4: {  	_ = 	snop  }
0x5: {  	_ = 	snop  }
0x6: {  	_ = 	snop  }
0x7: {  	_ = 	snop  }
__scs_overlays_trampoline_lowered:
0x8: {  	[smem:$0x3FAF] =	sst s0  }
0x9: {  	[smem:$0x3FB0] =	sst s1  }
0xa: {  	[smem:$0x3FB1] =	sst s2  }
0xb: {  	[smem:$0x3FB2] =	sst s3  }
0xc: {  	[smem:$0x3FB3] =	sst s4  }
0xd: {  	[smem:$0x3FB4] =	sst s5  }
0xe: {  	[smem:$0x3FB5] =	sst s6  }
0xf: {  	[smem:$0x3FB6] =	sst s7  }
0x10: {  	[smem:$0x3FB7] =	sst s8  }
0x11: {  	[smem:$0x3FB8] =	sst s9;
	s0 =	simm.s32 @!p0 $0x0  }
0x12: {  	s1 =	sld [smem:$0x3F9E];
	s0 =	simm.s32 @p0 $0x1  }
0x13: {  	[smem:$0x3FB9] =	sst s0;
	s0 =	simm.s32 @!p1 $0x0  }
0x14: {  	s2 =	sld [smem:$0x3F9D];
	s0 =	simm.s32 @p1 $0x1  }
0x15: {  	[smem:$0x3FBA] =	sst s0;
	s0 =	simm.s32 @!p2 $0x0  }
0x16: {  	s3 =	sld [smem:$0x3FDB];
	s0 =	simm.s32 @p2 $0x1  }
0x17: {  	s4 =	simm.s32 $0x1BF5;
	[smem:$0x3FBC] =	sst s0  }
0x18: {  	s0 =	sld [smem:$0x3F9F];
	_ =	swait.ge [sflag:s4], $0x0  }
0x19: {  	s7 =	sld [smem:$0x3FA0]  }
0x1a: {  	s8 =	sadd.s32 $0xFFFFE003, lr  }
0x1b: {  	s9 =	sadd.s32 $0xFFFFFEF7, lr;
	s5 =	simm.s32 $0xFFFFFFFF;
	p2 =	slt.u32 s8, $0xFFFFF086  }
0x1c: {  	p1 =	slt.u32 s9, $0xF7A;
	s5 =	simm.s32 @!p2 $0x0  }
0x1d: {  	s5 =	simm.s32 @p1 $0x1;
	p0 =	seq.s32 s7, s2  }
0x1e: {  	s7 =	smul.u32 @!p0 $0xF7A, s2;
	p2 =	seq.s32 @!p0 s5, $0x0  }
0x1f: {  	s9 =	smul.u32 $0xF7A, s1;
	s8 =	simm.s32 @!p0 $0x1BF5;
	p2 =	por !p2, p0  }
0x20: {  	[sflag:s8] =	ssyncset.s32 @!p0 $0xFFFFF086;
	s6 =	sadd.s32 @!p0 s3, s7;
	s7 =	simm.s32 @!p0 $0x108  }
0x21: {  	s3 =	sadd.s32 s3, s9;
	s6 =	sadd.s32 @!p0 $0x88, s6;
	s7 =	simm.s32 @p2 $0x1082  }
0x22: {  	[simem:s7], [sflag:s8] =	dma.local @!p0 [hbm:s6], $0xF7A  }
0x23: {  	s9 =	sor.u32 $0xD0000000, s2;
	s6 =	simm.s32 $0x108;
	_ =	swait.ge @!p0 [sflag:s8], $0x0  }
0x24: {  	s3 =	sadd.s32 $0x88, s3;
	s6 =	simm.s32 @!p1 $0x1082;
	[sflag:s4] =	ssyncset.s32 $0xFFFFF086  }
0x25: {  	[simem:s6], [sflag:s4] =	dma.local [hbm:s3], $0xF7A  }
0x26: {  	[smem:$0x3FA0] =	sst s1;
	(tag) =	ssettag s2;
	_ =	strace s9  }
0x27: {  	s1 =	sld [smem:$0x3FB0]  }
0x28: {  	s2 =	sld [smem:$0x3FB1]  }
0x29: {  	s4 =	sld [smem:$0x3FB3]  }
0x2a: {  	p0 =	seq.s32 s5, $0x0;
	s5 =	sld [smem:$0x3FB4]  }
0x2b: {  	s6 =	sld [smem:$0x3FB5]  }
0x2c: {  	s7 =	sld [smem:$0x3FB6]  }
0x2d: {  	s3 =	simm.s32 $0x108;
	s8 =	sld [smem:$0x3FB7]  }
0x2e: {  	s3 =	simm.s32 @!p0 $0x1082;
	s9 =	sld [smem:$0x3FB8]  }
0x2f: {  	lr =	sadd.s32 s0, s3;
	s0 =	sld [smem:$0x3FAF]  }
0x30: {  	s3 =	sld [smem:$0x3FB2]  }
0x31: {  	[smem:$0x3FBB] =	sst s10  }
0x32: {  	s10 =	sld [smem:$0x3FB9];
	_ =	sdelay $0x3  }
0x33: {  	p0 =	seq.s32 s10, $0x1;
	s10 =	sld [smem:$0x3FBB];
	_ =	sdelay $0x3  }
0x34: {  	[smem:$0x3FBB] =	sst s10  }
0x35: {  	s10 =	sld [smem:$0x3FBA];
	_ =	sdelay $0x3  }
0x36: {  	p1 =	seq.s32 s10, $0x1;
	s10 =	sld [smem:$0x3FBB];
	_ =	sdelay $0x3  }
0x37: {  	[smem:$0x3FBB] =	sst s10  }
0x38: {  	s10 =	sld [smem:$0x3FBC]  }
0x39: {  	_ = 	snop;
	(pc) =	sbr.ind lr, $3  }
0x3a: {  	_ = 	snop  }
0x3b: {  	_ = 	snop  }
0x3c: {  	p2 =	seq.s32 s10, $0x1;
	s10 =	sld [smem:$0x3FBB]  }
0x3d: {  	_ =	shalt  }
0x3e: {  	_ =	shalt  }
0x3f: {  	_ =	shalt  }
0x40: {  	_ =	shalt  }
0x41: {  	_ =	shalt  }
0x42: {  	_ =	shalt  }
0x43: {  	_ =	shalt  }
0x44: {  	_ =	shalt  }
0x45: {  	_ =	shalt  }
0x46: {  	_ =	shalt  }
0x47: {  	_ =	shalt  }
0x48: {  	_ =	shalt  }
0x49: {  	_ =	shalt  }
0x4a: {  	_ =	shalt  }
0x4b: {  	_ =	shalt  }
0x4c: {  	_ =	shalt  }
0x4d: {  	_ =	shalt  }
0x4e: {  	_ =	shalt  }
0x4f: {  	_ =	shalt  }
0x50: {  	_ =	shalt  }
0x51: {  	_ =	shalt  }
0x52: {  	_ =	shalt  }
0x53: {  	_ =	shalt  }
0x54: {  	_ =	shalt  }
0x55: {  	_ =	shalt  }
0x56: {  	_ =	shalt  }
0x57: {  	_ =	shalt  }
0x58: {  	_ =	shalt  }
0x59: {  	_ =	shalt  }
0x5a: {  	_ =	shalt  }
0x5b: {  	_ =	shalt  }
0x5c: {  	_ =	shalt  }
0x5d: {  	_ =	shalt  }
0x5e: {  	_ =	shalt  }
0x5f: {  	_ =	shalt  }
0x60: {  	_ =	shalt  }
0x61: {  	_ =	shalt  }
0x62: {  	_ =	shalt  }
0x63: {  	_ =	shalt  }
0x64: {  	_ =	shalt  }
0x65: {  	_ =	shalt  }
0x66: {  	_ =	shalt  }
0x67: {  	_ =	shalt  }
0x68: {  	_ =	shalt  }
0x69: {  	_ =	shalt  }
0x6a: {  	_ =	shalt  }
0x6b: {  	_ =	shalt  }
0x6c: {  	_ =	shalt  }
0x6d: {  	_ =	shalt  }
0x6e: {  	_ =	shalt  }
0x6f: {  	_ =	shalt  }
0x70: {  	_ =	shalt  }
0x71: {  	_ =	shalt  }
0x72: {  	_ =	shalt  }
0x73: {  	_ =	shalt  }
0x74: {  	_ =	shalt  }
0x75: {  	_ =	shalt  }
0x76: {  	_ =	shalt  }
0x77: {  	_ =	shalt  }
0x78: {  	_ =	shalt  }
0x79: {  	_ =	shalt  }
0x7a: {  	_ =	shalt  }
0x7b: {  	_ =	shalt  }
0x7c: {  	_ =	shalt  }
0x7d: {  	_ =	shalt  }
0x7e: {  	_ =	shalt  }
0x7f: {  	_ =	shalt  }
0x80: {  	_ =	shalt  }
0x81: {  	_ =	shalt  }
0x82: {  	_ =	shalt  }
0x83: {  	_ =	shalt  }
0x84: {  	_ =	shalt  }
0x85: {  	_ =	shalt  }
0x86: {  	_ =	shalt  }
0x87: {  	_ =	shalt  }
.Lfunc_end0:
.L_simem_size_0:
called_computation_lowered:
.L_overlay_start_0:
0x88: {  	s2 =	sld [smem:$0x3FD9]  }
0x89: {  	s3 =	sld [smem:$0x3FFE];
	_ =	sdelay $0x1  }
0x8a: {  	s1 =	srdreg.scid  }
0x8b: {  	s0 =	sand.u32 $0x1, s1  }
0x8c: {  	s18 =	sshll.u32 s0, $0xA;
	s2 =	sadd.s32 s3, s2  }
0x8d: {  	s2 =	sadd.s32 s2, s18  }
0x8e: {  	[smem:$0x3FC7] =	sst s2  }
0x8f: {  	_ = 	snop  }
0x90: {  	s2 =	sld [smem:$0x3FC9]  }
0x91: {  	s19 =	sld [smem:$0x3FD0];
	(tm) =	ssettm $0x1  }
0x92: {  	s4 =	sld [smem:$0x3FFB];
	_ =	sdelay $0x3  }
0x93: {  	_ =	strace s4  }
0x94: {  	s4 =	sld [smem:$0x3FFC];
	_ =	sdelay $0x3  }
0x95: {  	_ =	strace s4  }
0x96: {  	s4 =	sld [smem:$0x3FFD];
	_ =	sdelay $0x3  }
0x97: {  	_ =	strace s4  }
0x98: {  	_ =	strace $0x8FFFFFFF  }
0x99: {  	s20 =	sld [smem:$0x3FDB];
	_ =	sdelay $0x1  }
0x9a: {  	s5 =	simm.s32 $_scs_section_size  }
0x9b: {  	s6 =	simm.s32 $_size__tile_overlayer_lowered;
	s7 =	simm.s32 $_tile_overlayer_lowered  }
0x9c: {  	s23 =	simm.s32 $0x1BFF;
	s22 =	sshll.u32 s7, $0x1;
	s4 =	sadd.s32 s5, s20  }
0x9d: {  	s8 =	simm.s32 $0x0;
	s21 =	sshll.u32 s6, $0x1;
	s6 =	sadd.s32 s22, s4  }
0x9e: {  	[timem:s8], [sflag:s23] =	dma.local [hbm:s6], s21  }
0x9f: {  	_ =	swait.ge [sflag:s23], s21  }
0xa0: {  	s5 =	ssub.s32 $0x0, s21;
	[sflag:s23] =	ssyncset.done $0x0  }
0xa1: {  	[sflag:s23] =	ssyncadd.s32 s5;
	_ =	sdelay $0x1  }
0xa2: {  	s24 =	simm.s32 $0x1B8B  }
0xa3: {  	_ =	swait.ge [sflag:s24], $0x1  }
0xa4: {  	[sflag:s24] =	ssyncset.done $0x0  }
0xa5: {  	s25 =	simm.s32 $0x1B8E;
	[sflag:s24] =	ssyncadd.s32 $0xFFFFFFFF  }
0xa6: {  	s26 =	simm.s32 $execute0_lowered;
	[smem:$0x3FD2] =	sst s25  }
0xa7: {  	s5 =	sshll.u32 s26, $0x1;
	_ =	strace $0x80000046;
	[dreg:$0x1] =	wrdreg $0xFFFFFFFF  }
0xa8: {  	s28 =	simm.s32 $_size_execute0_lowered;
	s4 =	sadd.s32 s4, s5;
	[dreg:$0x0] =	wrdreg $0x0  }
0xa9: {  	s5 =	sshll.u32 s28, $0x1;
	[dreg:$0x2] =	wrdreg s4  }
0xaa: {  	[dreg:$0x3] =	wrdreg s5  }
0xab: {  	[dreg:$0x4] =	wrdreg $0xC0  }
0xac: {  	_ =	task [dreg:s8], $0x5FFFF  }
0xad: {  	[dreg:$0x1] =	wrdreg $0xFFFFFFFF  }
0xae: {  	[dreg:$0x0] =	wrdreg $0x60  }
0xaf: {  	[dreg:$0x2] =	wrdreg s2  }
0xb0: {  	[dreg:$0x3] =	wrdreg s19  }
0xb1: {  	[dreg:$0x4] =	wrdreg $0x9  }
0xb2: {  	_ =	task.clear_ibuf [dreg:s8], $0x5FFFF;
	_ =	strace $0x90000046  }
0xb3: {  	s29 =	simm.s32 $0x9;
	_ =	strace $0x80000048  }
0xb4: {  	_ =	swait.ge [sflag:s29], $0x1  }
0xb5: {  	[sflag:s29] =	ssyncadd.s32 $0xFFFFFFFF  }
0xb6: {  	_ =	strace $0x90000048  }
0xb7: {  	_ =	sfence  }
0xb8: {  	s30 =	sld [smem:$0x0];
	_ =	sdelay $0x2  }
0xb9: {  	s31 =	sshll.u32 s1, $0xD;
	s1 =	sshrl.u32 s1, $0x2  }
0xba: {  	s3 =	sand.u32 $0x4000, s31;
	s1 =	sadd.s32 s1, s30  }
0xbb: {  	s0 =	sor.u32 s3, s0;
	s1 =	sshll.u32 s1, $0x11  }
0xbc: {  	s0 =	sor.u32 s1, s0  }
0xbd: {  	s0 =	sadd.s32 $0x8F2B, s0  }
0xbe: {  	[sflag:s0] =	ssyncadd.remote.s32 $0x1  }
0xbf: {  	_ =	sfence.sel $0xFFFF  }
0xc0: {  	[dreg:$0x0] =	wrdreg $0xFFFFFFFF;
	(pc) =	sbr.abs _section_cstart, $3  }
0xc1: {  	[dreg:$0x1] =	wrdreg $0xFFFFFFFF  }
0xc2: {  	_ =	task.clear_ibuf [dreg:s8], $0x2FFFF;
	_ =	strace $0x9FFFFFFF  }
0xc3: {  	(tm) =	ssettm $0x7FFFFFFF  }
tec
execute0_lowered:
.L_overlay_start_1:
0x0: {  	(tag) =	ssettag $0x1  }
0x1: {  	s4 =	rddreg [dreg:$0x0]  }
0x2: {  	s1 =	rddreg [dreg:$0x1]  }
0x3: {  	s2 =	srdreg.scid;
	s0 =	rddreg [dreg:$0x2];
	s3 =	simm.s32 $0x0  }
0x4: {  	s10 =	simm.s32 $0x3;
	s11 =	simm.s32 $0x4080;
	s12 =	simm.s32 $0xC080  }
0x5: {  	s13 =	simm.s32 $0x1;
	s14 =	simm.s32 $0x2;
	s15 =	simm.s32 $0x0  }
0x6: {  	s5 =	sand.u32 $0x1, s2;
	s2 =	stileid.u32;
	[smem:$0x7FF] =	sst s3  }
0x7: {  	s6 =	ssub.s32 $0x2, s5;
	s8 =	sshll.u32 s2, $0x4;
	_ =	strace $0x80000047  }
0x8: {  	s5 =	sshll.u32 s5, $0x4;
	s31 =	sshll.u32 s2, $0x11;
	s7 =	sshrl.u32 s6, $0x1  }
0x9: {  	s4 =	sadd.s32 s4, s8;
	s9 =	ssub.s32 s6, s7;
	s6 =	sshll.u32 s2, $0x14  }
0xa: {  	v0 =	vlaneseq.u32;
	s7 =	sadd.s32 s1, s31;
	s8 =	sor.u32 $0x4000, s6;
	s9 =	smax.u32 s9, $0x1  }
.LBB2_1:
0xb: {  	[tilespmem:s3], [sflag:$0x3] =	stream.linear.gather [hbm4b:s4+s3], $0x80, $0x38;
	[tilespmem:$0x10080] =	vst v63  }
0xc: {  	_ =	swait.ge [sflag:s10], $0x80  }
0xd: {  	[sflag:s10] =	ssyncset.done $0x0  }
0xe: {  	s16 =	simm.s32 $0x0;
	[sflag:s10] =	ssyncadd.s32 $0xFFFFFF80  }
.LBB2_2:
0xf: {  	s17 =	sshll.u32 s16, $0x1  }
0x10: {  	s17 =	sadd.s32 s5, s17  }
0x11: {  	s18 =	ssub.s32 $0x20, s17  }
0x12: {  	v1 =	vmov s18  }
0x13: {  	s30 =	sxor.u32 $0x1F, s17;
	s19 =	ssub.s32 $0x22, s17;
	v1 =	vand.u32 $0xFFFFFFFE, v1  }
0x14: {  	p0 =	seq.s32 s16, $0x0;
	v2 =	vmov s30;
	v3 =	vbroadcast v1, $0x0;
	v1 =	vmov s19  }
0x15: {  	s31 =	ssub.s32 $0x21, s17;
	s20 =	ssub.s32 $0x24, s17;
	s18 =	simm.s32 @!p0 $0x1;
	v1 =	vand.u32 $0xFFFFFFFE, v1  }
0x16: {  	v4 =	vmov s31;
	_ =	swait.ge @!p0 [sflag:s18], $0x8000;
	v5 =	vbroadcast v1, $0x0;
	v1 =	vmov s20  }
0x17: {  	s21 =	ssub.s32 $0x23, s17;
	s22 =	ssub.s32 $0x26, s17;
	[sflag:s18] =	ssyncset.done @!p0 $0x0;
	v1 =	vand.u32 $0xFFFFFFFE, v1  }
0x18: {  	v6 =	vmov s21;
	[sflag:s18] =	ssyncadd.s32 @!p0 $0xFFFF8000;
	s18 =	simm.s32 $0x0;
	v7 =	vbroadcast v1, $0x0;
	v1 =	vmov s22  }
0x19: {  	s23 =	ssub.s32 $0x25, s17;
	s24 =	ssub.s32 $0x28, s17;
	[tilespmem:$0x1FE00] =	vst v2;
	v34 =	vld.idx.msk [tilespmem:v2+s18+$0x0], $0xffff;
	v1 =	vand.u32 $0xFFFFFFFE, v1  }
0x1a: {  	[tilespmem:$0x1FE10] =	vst v3;
	v2 =	vmov s23;
	v35 =	vld.idx.msk [tilespmem:v3+s18+$0x0], $0xffff;
	v3 =	vbroadcast v1, $0x0;
	v1 =	vmov s24  }
0x1b: {  	s25 =	ssub.s32 $0x27, s17;
	s26 =	ssub.s32 $0x2A, s17;
	[tilespmem:$0x1FE20] =	vst v4;
	v33 =	vld.idx.msk [tilespmem:v4+s18+$0x0], $0xffff;
	v1 =	vand.u32 $0xFFFFFFFE, v1  }
0x1c: {  	v4 =	vmov s25;
	[tilespmem:$0x1FE30] =	vst v5;
	v37 =	vld.idx.msk [tilespmem:v5+s18+$0x0], $0xffff;
	v5 =	vbroadcast v1, $0x0;
	v1 =	vmov s26  }
0x1d: {  	s28 =	ssub.s32 $0x29, s17;
	s29 =	ssub.s32 $0x2C, s17;
	[tilespmem:$0x1FE40] =	vst v6;
	v39 =	vld.idx.msk [tilespmem:v6+s18+$0x0], $0xffff;
	v1 =	vand.u32 $0xFFFFFFFE, v1  }
0x1e: {  	v6 =	vmov s28;
	[tilespmem:$0x1FE50] =	vst v7;
	v40 =	vld.idx.msk [tilespmem:v7+s18+$0x0], $0xffff;
	v7 =	vbroadcast v1, $0x0;
	v1 =	vmov s29  }
0x1f: {  	s30 =	ssub.s32 $0x2B, s17;
	s31 =	ssub.s32 $0x2E, s17;
	[tilespmem:$0x1FE60] =	vst v2;
	v36 =	vld.idx.msk [tilespmem:v2+s18+$0x0], $0xffff;
	v1 =	vand.u32 $0xFFFFFFFE, v1  }
0x20: {  	[tilespmem:$0x1FE70] =	vst v3;
	v2 =	vmov s30;
	v44 =	vld.idx.msk [tilespmem:v3+s18+$0x0], $0xffff;
	v3 =	vbroadcast v1, $0x0;
	v1 =	vmov s31  }
0x21: {  	s21 =	ssub.s32 $0x30, s17;
	s20 =	ssub.s32 $0x2D, s17;
	[tilespmem:$0x1FE80] =	vst v4;
	v41 =	vld.idx.msk [tilespmem:v4+s18+$0x0], $0xffff;
	v1 =	vand.u32 $0xFFFFFFFE, v1  }
0x22: {  	v4 =	vmov s20;
	[tilespmem:$0x1FE90] =	vst v5;
	v46 =	vld.idx.msk [tilespmem:v5+s18+$0x0], $0xffff;
	v5 =	vbroadcast v1, $0x0;
	v1 =	vmov s21  }
0x23: {  	s23 =	ssub.s32 $0x32, s17;
	[tilespmem:$0x1FEA0] =	vst v6;
	s22 =	ssub.s32 $0x2F, s17;
	v38 =	vld.idx.msk [tilespmem:v6+s18+$0x0], $0xffff;
	v1 =	vand.u32 $0xFFFFFFFE, v1  }
0x24: {  	v6 =	vmov s22;
	[tilespmem:$0x1FEB0] =	vst v7;
	v49 =	vld.idx.msk [tilespmem:v7+s18+$0x0], $0xffff;
	v7 =	vbroadcast v1, $0x0;
	v1 =	vmov s23  }
0x25: {  	s25 =	ssub.s32 $0x34, s17;
	s24 =	ssub.s32 $0x31, s17;
	[tilespmem:$0x1FEC0] =	vst v2;
	v55 =	vld.idx.msk [tilespmem:v2+s18+$0x0], $0xffff;
	v1 =	vand.u32 $0xFFFFFFFE, v1  }
0x26: {  	[tilespmem:$0x1FED0] =	vst v3;
	v57 =	vld.idx.msk [tilespmem:v3+s18+$0x0], $0xffff;
	v3 =	vmov s24;
	v8 =	vbroadcast v1, $0x0;
	v1 =	vmov s25  }
0x27: {  	s26 =	ssub.s32 $0x33, s17;
	[tilespmem:$0x1FEE0] =	vst v4;
	v42 =	vld.idx.msk [tilespmem:v4+s18+$0x0], $0xffff;
	v1 =	vand.u32 $0xFFFFFFFE, v1  }
0x28: {  	s28 =	ssub.s32 $0x36, s17;
	[tilespmem:$0x1FEF0] =	vst v5;
	v62 =	vld.idx.msk [tilespmem:v5+s18+$0x0], $0xffff;
	v5 =	vmov s26;
	v4 =	vbroadcast v1, $0x0  }
0x29: {  	[tilespmem:$0x1FF00] =	vst v6;
	s29 =	ssub.s32 $0x35, s17;
	v63 =	vld.idx.msk [tilespmem:v6+s18+$0x0], $0xffff;
	v1 =	vmov s28  }
0x2a: {  	s30 =	ssub.s32 $0x38, s17;
	s21 =	ssub.s32 $0x39, s17;
	[tilespmem:$0x1FF10] =	vst v7;
	v1 =	vand.u32 $0xFFFFFFFE, v1;
	v2 =	vld.idx.msk [tilespmem:v7+s18+$0x0], $0xffff;
	v7 =	vmov s29  }
0x2b: {  	s31 =	ssub.s32 $0x37, s17;
	v10 =	vmov s21;
	[tilespmem:$0x1FF20] =	vst v3;
	v6 =	vbroadcast v1, $0x0;
	v1 =	vmov s30;
	v60 =	vld.idx.msk [tilespmem:v3+s18+$0x0], $0xffff  }
0x2c: {  	s20 =	ssub.s32 $0x3A, s17;
	[tilespmem:$0x1FF30] =	vst v8;
	v1 =	vand.u32 $0xFFFFFFFE, v1;
	v3 =	vld.idx.msk [tilespmem:v8+s18+$0x0], $0xffff;
	v8 =	vmov s31  }
0x2d: {  	s23 =	simm.s32 $0x5F;
	[tilespmem:$0x1FF40] =	vst v5;
	v9 =	vbroadcast v1, $0x0;
	v1 =	vmov s20;
	v48 =	vld.idx.msk [tilespmem:v5+s18+$0x0], $0xffff  }
0x2e: {  	s21 =	ssub.s32 $0x3C, s17;
	[tilespmem:$0x1FF50] =	vst v4;
	v1 =	vand.u32 $0xFFFFFFFE, v1;
	v43 =	vld.idx.msk [tilespmem:v4+s18+$0x0], $0xffff;
	v4 =	vadd.s32 s23, v0  }
0x2f: {  	s22 =	ssub.s32 $0x3E, s17;
	[tilespmem:$0x1FF60] =	vst v7;
	v5 =	vmov s21;
	v47 =	vld.idx.msk [tilespmem:v7+s18+$0x0], $0xffff;
	v7 =	vbroadcast v1, $0x0  }
0x30: {  	s24 =	ssub.s32 $0x3B, s17;
	v58 =	vld.idx.msk [tilespmem:v10+s18+$0x0], $0xffff;
	v5 =	vand.u32 $0xFFFFFFFE, v5;
	v1 =	vmov s22  }
0x31: {  	[tilespmem:$0x1FF80] =	vst v8;
	v0 =	vor.u32 $0x10, v0;
	v1 =	vand.u32 $0xFFFFFFFE, v1;
	v59 =	vld.idx.msk [tilespmem:v8+s18+$0x0], $0xffff;
	v8 =	vmov s24  }
0x32: {  	[tilespmem:$0x1FF70] =	vst v6;
	v51 =	vld.idx.msk [tilespmem:v6+s18+$0x0], $0xffff;
	v6 =	vbroadcast v1, $0x0;
	v1 =	vbroadcast v5, $0x0;
	v5 =	vadd.s32 s23, v0  }
0x33: {  	[tilespmem:$0x1FFA0] =	vst v10;
	s25 =	ssub.s32 $0x3D, s17;
	v56 =	vld.idx.msk [tilespmem:v4+s3+$0x0], $0xffff  }
0x34: {  	[tilespmem:$0x1FFB0] =	vst v0;
	v0 =	vmov s25;
	v52 =	vld.idx.msk [tilespmem:v9+s18+$0x0], $0xffff  }
0x35: {  	[tilespmem:$0x1FF90] =	vst v9;
	v4 =	vld.idx.msk [tilespmem:v7+s18+$0x0], $0xffff  }
0x36: {  	[tilespmem:$0x1FFC0] =	vst v7;
	v54 =	vld.idx.msk [tilespmem:v8+s18+$0x0], $0xffff  }
0x37: {  	[tilespmem:$0x1FFD0] =	vst v8;
	v61 =	vld.idx.msk [tilespmem:v5+s3+$0x0], $0xffff  }
0x38: {  	s26 =	sand.u32 $0x6000, s18;
	s28 =	sand.u32 $0x380, s18;
	[tilespmem:$0x1FFF0] =	vst v0;
	v45 =	vld.idx.msk [tilespmem:v6+s18+$0x0], $0xffff;
	v5 =	vadd.f32 v56, v46;
	v6 =	vadd.f32 v56, v49  }
0x39: {  	s22 =	sor.u32 s28, s26;
	[tilespmem:$0x1FFE0] =	vst v1;
	v50 =	vld.idx.msk [tilespmem:v0+s18+$0x0], $0xffff;
	v7 =	vadd.f32 v56, v44;
	v8 =	vadd.f32 v56, v55  }
0x3a: {  	v53 =	vld.idx.msk [tilespmem:v1+s18+$0x0], $0xffff;
	v9 =	vadd.f32 v56, v57;
	v10 =	vadd.f32 v56, v62;
	[tilespmem:s22+$0x8E0] =	vst v6  }
0x3b: {  	v11 =	vadd.f32 v56, v63;
	v14 =	vadd.f32 v56, v2;
	[tilespmem:s22+$0x8A0] =	vst v5  }
0x3c: {  	v15 =	vadd.f32 v56, v3;
	v6 =	vadd.f32 v56, v40;
	[tilespmem:s22+$0x4E0] =	vst v7  }
0x3d: {  	v5 =	vadd.f32 v56, v39;
	v7 =	vadd.f32 v56, v37;
	[tilespmem:s22+$0xC80] =	vst v8  }
0x3e: {  	v8 =	vadd.f32 v56, v35;
	[tilespmem:s22+$0xCA0] =	vst v9;
	v21 =	vadd.f32 v61, v34  }
0x3f: {  	[tilespmem:s22+$0xCE0] =	vst v10;
	v17 =	vadd.f32 v61, v4;
	v18 =	vadd.f32 v61, v33  }
0x40: {  	[tilespmem:s22+$0x1080] =	vst v11;
	v25 =	vadd.f32 v61, v49;
	v12 =	vadd.f32 v61, v35  }
0x41: {  	[tilespmem:s22+$0x10A0] =	vst v14;
	v24 =	vadd.f32 v61, v44;
	v13 =	vadd.f32 v61, v37  }
0x42: {  	[tilespmem:s22+$0x10E0] =	vst v15;
	v22 =	vadd.f32 v61, v36;
	v19 =	vadd.f32 v61, v39  }
0x43: {  	v23 =	vadd.f32 v61, v41;
	v9 =	vadd.f32 v61, v38;
	[tilespmem:s22+$0x4A0] =	vst v6  }
0x44: {  	v10 =	vadd.f32 v61, v40;
	v20 =	vadd.f32 v61, v55;
	[tilespmem:s22+$0x480] =	vst v5  }
0x45: {  	v16 =	vadd.f32 v61, v63;
	v11 =	vadd.f32 v61, v2;
	[tilespmem:s22+$0xE0] =	vst v7  }
0x46: {  	s29 =	sand.u32 $0x7, s18;
	v14 =	vadd.f32 v61, v60;
	v15 =	vadd.f32 v61, v3;
	[tilespmem:s22+$0xA0] =	vst v8  }
0x47: {  	s30 =	sshll.u32 s17, $0xC;
	s31 =	sshll.u32 s29, $0x7;
	v6 =	vadd.f32 v56, v34;
	v5 =	vadd.f32 v61, v46;
	[tilespmem:s22+$0x18F0] =	vst v17  }
0x48: {  	s19 =	sadd.s32 s30, s7;
	s20 =	simm.s32 $0x0;
	s21 =	sadd.s32 $0x0, s31;
	v8 =	vadd.f32 v61, v42;
	v7 =	vadd.f32 v61, v62;
	[tilespmem:s22+$0x8F0] =	vst v25  }
0x49: {  	s23 =	simm.s32 $0x80;
	s24 =	simm.s32 $0x5E;
	s25 =	simm.s32 $0x0;
	v17 =	vadd.f32 v61, v48;
	[tilespmem:s22+$0x80] =	vst v6;
	v6 =	vadd.f32 v61, v57  }
.LBB2_3:
0x4a: {  	[tilespmem:s22+$0x90] =	vst v21  }
0x4b: {  	[tilespmem:s22+$0x4F0] =	vst v24  }
0x4c: {  	[tilespmem:s22+$0xD0] =	vst v18  }
0x4d: {  	[tilespmem:s22+$0x4D0] =	vst v22  }
0x4e: {  	[tilespmem:s22+$0x890] =	vst v23  }
0x4f: {  	[tilespmem:s22+$0x490] =	vst v19  }
0x50: {  	[tilespmem:s22+$0xC90] =	vst v20  }
0x51: {  	[tilespmem:s22+$0xF0] =	vst v13  }
0x52: {  	[tilespmem:s22+$0xB0] =	vst v12  }
0x53: {  	[tilespmem:s22+$0x1090] =	vst v16  }
0x54: {  	[tilespmem:s22+$0x1490] =	vst v17  }
0x55: {  	[tilespmem:s22+$0x10F0] =	vst v15  }
0x56: {  	[tilespmem:s22+$0x10D0] =	vst v14  }
0x57: {  	[tilespmem:s22+$0x4B0] =	vst v10  }
0x58: {  	[tilespmem:s22+$0x8D0] =	vst v9  }
0x59: {  	[tilespmem:s22+$0x10B0] =	vst v11  }
0x5a: {  	[tilespmem:s22+$0xCD0] =	vst v8  }
0x5b: {  	[tilespmem:s22+$0x8B0] =	vst v5  }
0x5c: {  	v31 =	vadd.f32 v56, v33;
	[tilespmem:s22+$0xCB0] =	vst v6  }
0x5d: {  	v30 =	vadd.f32 v56, v52;
	[tilespmem:s22+$0xCF0] =	vst v7  }
0x5e: {  	v32 =	vadd.f32 v56, v36;
	[tilespmem:s22+$0xC0] =	vst v31  }
0x5f: {  	v29 =	vadd.f32 v56, v51;
	[tilespmem:s22+$0x18A0] =	vst v30  }
0x60: {  	v1 =	vadd.f32 v56, v47;
	[tilespmem:s22+$0x4C0] =	vst v32  }
0x61: {  	v0 =	vadd.f32 v56, v38;
	[tilespmem:s22+$0x14E0] =	vst v29  }
0x62: {  	v26 =	vadd.f32 v61, v59;
	[tilespmem:s22+$0x14C0] =	vst v1  }
0x63: {  	v28 =	vadd.f32 v56, v48;
	[tilespmem:s22+$0x8C0] =	vst v0  }
0x64: {  	v27 =	vadd.f32 v61, v58;
	[tilespmem:s22+$0x1890] =	vst v26  }
0x65: {  	v25 =	vadd.f32 v61, v47;
	[tilespmem:s22+$0x1480] =	vst v28  }
0x66: {  	v22 =	vadd.f32 v56, v41;
	[tilespmem:s22+$0x18D0] =	vst v27  }
0x67: {  	v20 =	vadd.f32 v56, v42;
	[tilespmem:s22+$0x14D0] =	vst v25  }
0x68: {  	v23 =	vadd.f32 v56, v43;
	[tilespmem:s22+$0x880] =	vst v22  }
0x69: {  	v19 =	vadd.f32 v56, v59;
	[tilespmem:s22+$0xCC0] =	vst v20  }
0x6a: {  	v24 =	vadd.f32 v61, v51;
	[tilespmem:s22+$0x14A0] =	vst v23  }
0x6b: {  	v18 =	vadd.f32 v61, v52;
	[tilespmem:s22+$0x1880] =	vst v19  }
0x6c: {  	v21 =	vadd.f32 v61, v43;
	[tilespmem:s22+$0x14F0] =	vst v24  }
0x6d: {  	v31 =	vadd.f32 v56, v60;
	[tilespmem:s22+$0x18B0] =	vst v18  }
0x6e: {  	v30 =	vadd.f32 v56, v58;
	[tilespmem:s22+$0x14B0] =	vst v21  }
0x6f: {  	v22 =	vadd.f32 v56, v4;
	[tilespmem:s22+$0x10C0] =	vst v31  }
0x70: {  	v5 =	vadd.f32 v56, v54;
	[tilespmem:s22+$0x18C0] =	vst v30  }
0x71: {  	s29 =	sor.u32 $0x1C00, s21;
	v0 =	vadd.f32 v61, v54;
	[tilespmem:s22+$0x18E0] =	vst v22  }
0x72: {  	s31 =	sor.u32 $0x1C10, s21;
	v6 =	vadd.f32 v56, v53;
	[tilespmem:s29+$0x80] =	vst v5  }
0x73: {  	s30 =	sor.u32 $0x1C20, s21;
	v1 =	vadd.f32 v61, v53;
	[tilespmem:s31+$0x80] =	vst v0  }
0x74: {  	s31 =	sor.u32 $0x1C30, s21;
	v0 =	vadd.f32 v56, v50;
	[tilespmem:s30+$0x80] =	vst v6  }
0x75: {  	v12 =	vadd.f32 v61, v50;
	s30 =	sor.u32 $0x1C40, s21;
	[tilespmem:s31+$0x80] =	vst v1  }
0x76: {  	v26 =	vlaneseq.u32;
	s31 =	sor.u32 $0x1C50, s21;
	v1 =	vadd.f32 v56, v45;
	[tilespmem:s30+$0x80] =	vst v0  }
0x77: {  	v5 =	vadd.s32 s24, v26;
	s30 =	sor.u32 $0x1C60, s21;
	v0 =	vadd.f32 v61, v45;
	[tilespmem:s31+$0x80] =	vst v12  }
0x78: {  	s31 =	sor.u32 $0x1C70, s21;
	[tilespmem:s30+$0x80] =	vst v1  }
0x79: {  	s26 =	smov.u32 s23;
	p2 =	sne.s32 s20, $0x780;
	[tilespmem:s31+$0x80] =	vst v0;
	v0 =	vld [tilespmem:$0x1FFB0]  }
0x7a: {  	s20 =	smov.u32 s26;
	s26 =	simm.s32 @!p2 $0x0;
	s29 =	simm.s32 @!p2 $0x80  }
0x7b: {  	[hbm4b:s19+s26] =	stream.linear.scatter @!p2 [tilespmem:s29], [sflag:$0x1], $0x4000, $0x38;
	[tilespmem:$0x10080] =	vst v63  }
0x7c: {  	v56 =	vld.idx.msk [tilespmem:v5+s3+$0x0], $0xffff;
	_ =	sdelay $0x1  }
0x7d: {  	v0 =	vadd.s32 s24, v0;
	_ =	sdelay $0x1  }
0x7e: {  	s18 =	sadd.s32 $0x400, s18  }
0x7f: {  	s30 =	sand.u32 $0x6000, s18;
	s31 =	sand.u32 $0x380, s20;
	v1 =	vadd.f32 v56, v46;
	v5 =	vadd.f32 v56, v49  }
0x80: {  	s22 =	sor.u32 s31, s30;
	v6 =	vadd.f32 v56, v55;
	v7 =	vadd.f32 v56, v40  }
0x81: {  	v8 =	vadd.f32 v56, v39;
	v9 =	vadd.f32 v56, v37;
	v61 =	vld.idx.msk [tilespmem:v0+s3+$0x0], $0xffff;
	[tilespmem:s22+$0x8E0] =	vst v5  }
0x82: {  	v10 =	vadd.f32 v56, v35;
	v11 =	vadd.f32 v56, v34;
	[tilespmem:s22+$0x8A0] =	vst v1  }
0x83: {  	v14 =	vadd.f32 v56, v3;
	v0 =	vadd.f32 v56, v44;
	[tilespmem:s22+$0xC80] =	vst v6  }
0x84: {  	v5 =	vadd.f32 v56, v57;
	v1 =	vadd.f32 v56, v62;
	[tilespmem:s22+$0x4A0] =	vst v7  }
0x85: {  	v6 =	vadd.f32 v56, v2;
	[tilespmem:s22+$0x4E0] =	vst v0;
	v0 =	vadd.f32 v56, v63  }
0x86: {  	[tilespmem:s22+$0x480] =	vst v8;
	v21 =	vadd.f32 v61, v34;
	v15 =	vadd.f32 v61, v4  }
0x87: {  	[tilespmem:s22+$0xE0] =	vst v9;
	v18 =	vadd.f32 v61, v33;
	v17 =	vadd.f32 v61, v49  }
0x88: {  	[tilespmem:s22+$0xA0] =	vst v10;
	v12 =	vadd.f32 v61, v35;
	v24 =	vadd.f32 v61, v44  }
0x89: {  	[tilespmem:s22+$0x80] =	vst v11;
	v13 =	vadd.f32 v61, v37;
	v22 =	vadd.f32 v61, v36  }
0x8a: {  	s23 =	sadd.s32 $0x80, s23;
	[tilespmem:s22+$0x10E0] =	vst v14;
	v19 =	vadd.f32 v61, v39;
	v23 =	vadd.f32 v61, v41  }
0x8b: {  	p1 =	sne.s32 s23, $0x1000;
	[tilespmem:s22+$0xCA0] =	vst v5;
	v5 =	vadd.f32 v61, v46;
	v9 =	vadd.f32 v61, v38  }
.Ltmp0:
0x8c: {  	s25 =	sadd.s32 $0x1, s25;
	[tilespmem:s22+$0xCE0] =	vst v1;
	v10 =	vadd.f32 v61, v40;
	v20 =	vadd.f32 v61, v55;
	(pc) =	sbr.rel @p1 .LBB2_3-.Ltmp0, $4  }
0x8d: {  	s28 =	sand.u32 $0x7, s25;
	[tilespmem:s22+$0x10A0] =	vst v6;
	v6 =	vadd.f32 v61, v57;
	v8 =	vadd.f32 v61, v42  }
0x8e: {  	s28 =	sshll.u32 s28, $0x7;
	[tilespmem:s22+$0x1080] =	vst v0;
	v7 =	vadd.f32 v61, v62;
	v16 =	vadd.f32 v61, v63  }
0x8f: {  	s28 =	sadd.s32 s28, s18;
	v11 =	vadd.f32 v61, v2;
	v14 =	vadd.f32 v61, v60;
	[tilespmem:s22+$0x18F0] =	vst v15  }
0x90: {  	s21 =	smov.u32 s28;
	s24 =	sadd.s32 $0xFFFFFFFF, s24;
	[tilespmem:s22+$0x8F0] =	vst v17;
	v15 =	vadd.f32 v61, v3;
	v17 =	vadd.f32 v61, v48  }
0x91: {  	[tilespmem:s22+$0x90] =	vst v21  }
0x92: {  	[tilespmem:s22+$0x4F0] =	vst v24  }
0x93: {  	[tilespmem:s22+$0xD0] =	vst v18  }
0x94: {  	[tilespmem:s22+$0x4D0] =	vst v22  }
0x95: {  	[tilespmem:s22+$0x890] =	vst v23  }
0x96: {  	[tilespmem:s22+$0x490] =	vst v19  }
0x97: {  	[tilespmem:s22+$0xC90] =	vst v20  }
0x98: {  	[tilespmem:s22+$0xF0] =	vst v13  }
0x99: {  	[tilespmem:s22+$0xB0] =	vst v12  }
0x9a: {  	[tilespmem:s22+$0x1090] =	vst v16  }
0x9b: {  	[tilespmem:s22+$0x10D0] =	vst v14  }
0x9c: {  	[tilespmem:s22+$0x4B0] =	vst v10  }
0x9d: {  	[tilespmem:s22+$0x8D0] =	vst v9  }
0x9e: {  	[tilespmem:s22+$0x10B0] =	vst v11  }
0x9f: {  	[tilespmem:s22+$0xCD0] =	vst v8  }
0xa0: {  	[tilespmem:s22+$0x8B0] =	vst v5  }
0xa1: {  	v0 =	vadd.f32 v56, v41;
	[tilespmem:s22+$0xCB0] =	vst v6  }
0xa2: {  	[tilespmem:s22+$0xCF0] =	vst v7  }
0xa3: {  	[tilespmem:s22+$0x880] =	vst v0;
	v0 =	vadd.f32 v56, v33  }
0xa4: {  	[tilespmem:s22+$0x1490] =	vst v17  }
0xa5: {  	[tilespmem:s22+$0xC0] =	vst v0;
	v0 =	vadd.f32 v56, v60  }
0xa6: {  	v1 =	vadd.f32 v56, v52;
	[tilespmem:s22+$0x10F0] =	vst v15  }
0xa7: {  	[tilespmem:s22+$0x10C0] =	vst v0;
	v0 =	vadd.f32 v56, v36  }
0xa8: {  	v2 =	vadd.f32 v61, v47;
	[tilespmem:s22+$0x18A0] =	vst v1  }
0xa9: {  	[tilespmem:s22+$0x4C0] =	vst v0;
	v0 =	vadd.f32 v56, v47  }
0xaa: {  	v1 =	vadd.f32 v56, v58;
	[tilespmem:s22+$0x14D0] =	vst v2  }
0xab: {  	[tilespmem:s22+$0x14C0] =	vst v0;
	v0 =	vadd.f32 v56, v38  }
0xac: {  	[tilespmem:s22+$0x18C0] =	vst v1;
	v1 =	vadd.f32 v56, v51  }
0xad: {  	[tilespmem:s22+$0x8C0] =	vst v0;
	v0 =	vadd.f32 v56, v4  }
0xae: {  	[tilespmem:s22+$0x14E0] =	vst v1;
	v1 =	vadd.f32 v56, v42  }
0xaf: {  	[tilespmem:s22+$0x18E0] =	vst v0;
	v0 =	vadd.f32 v56, v43  }
0xb0: {  	[tilespmem:s22+$0xCC0] =	vst v1;
	v1 =	vadd.f32 v56, v59  }
0xb1: {  	[tilespmem:s22+$0x14A0] =	vst v0;
	v0 =	vadd.f32 v61, v59  }
0xb2: {  	[tilespmem:s22+$0x1880] =	vst v1;
	v1 =	vadd.f32 v56, v48  }
0xb3: {  	[tilespmem:s22+$0x1890] =	vst v0;
	v0 =	vadd.f32 v61, v51  }
0xb4: {  	[tilespmem:s22+$0x1480] =	vst v1;
	v1 =	vadd.f32 v61, v58  }
0xb5: {  	[tilespmem:s22+$0x14F0] =	vst v0;
	v0 =	vadd.f32 v61, v52  }
0xb6: {  	[tilespmem:s22+$0x18D0] =	vst v1;
	v1 =	vadd.f32 v61, v43  }
0xb7: {  	[tilespmem:s22+$0x18B0] =	vst v0;
	v0 =	vadd.f32 v56, v54  }
0xb8: {  	s18 =	sor.u32 $0x1C00, s21;
	[tilespmem:s22+$0x14B0] =	vst v1;
	v1 =	vadd.f32 v61, v54  }
0xb9: {  	s25 =	sor.u32 $0x1C10, s21;
	v2 =	vadd.f32 v56, v53;
	[tilespmem:s18+$0x80] =	vst v0  }
0xba: {  	s26 =	sor.u32 $0x1C20, s21;
	v0 =	vadd.f32 v61, v53;
	[tilespmem:s25+$0x80] =	vst v1  }
0xbb: {  	s28 =	sor.u32 $0x1C30, s21;
	v1 =	vadd.f32 v56, v50;
	[tilespmem:s26+$0x80] =	vst v2  }
0xbc: {  	s29 =	sor.u32 $0x1C40, s21;
	v2 =	vadd.f32 v61, v50;
	[tilespmem:s28+$0x80] =	vst v0  }
0xbd: {  	s30 =	sor.u32 $0x1C50, s21;
	v0 =	vadd.f32 v56, v45;
	[tilespmem:s29+$0x80] =	vst v1  }
0xbe: {  	s31 =	sor.u32 $0x1C60, s21;
	p1 =	sne.s32 s20, $0x780;
	s23 =	sshll.u32 s17, $0xF;
	v1 =	vadd.f32 v61, v45;
	[tilespmem:s30+$0x80] =	vst v2  }
0xbf: {  	s24 =	ssub.s32 $0x1E, s17;
	s22 =	sor.u32 $0x1C70, s21;
	s25 =	sadd.s32 s8, s23;
	[tilespmem:s31+$0x80] =	vst v0  }
0xc0: {  	s20 =	simm.s32 @!p1 $0x80;
	s18 =	simm.s32 @!p1 $0x0;
	s26 =	sshrl.u32 s25, $0x3;
	v0 =	vmov s24;
	[tilespmem:s22+$0x80] =	vst v1  }
0xc1: {  	v0 =	vand.u32 $0xFFFFFFFE, v0;
	[hbm4b:s19+s18] =	stream.linear.scatter @!p1 [tilespmem:s20], [sflag:$0x1], $0x4000, $0x38;
	[tilespmem:$0x10080] =	vst v63  }
0xc2: {  	s17 =	sadd.s32 s1, s26;
	v0 =	vbroadcast v0, $0x0  }
0xc3: {  	[hbm4b:s17+s3] =	stream.linear.scatter [tilespmem:s11], [sflag:$0x1], $0x4000, $0x38;
	[tilespmem:$0x10080] =	vst v63  }
0xc4: {  	s17 =	simm.s32 @!p0 $0x2  }
0xc5: {  	_ =	swait.ge @!p0 [sflag:s17], $0x8000  }
0xc6: {  	[sflag:s17] =	ssyncset.done @!p0 $0x0  }
0xc7: {  	s21 =	simm.s32 $0x0;
	[sflag:s17] =	ssyncadd.s32 @!p0 $0xFFFF8000  }
0xc8: {  	v45 =	vld.idx.msk [tilespmem:v0+s21+$0x0], $0xffff  }
0xc9: {  	v0 =	vld [tilespmem:$0x1FE00];
	_ =	sdelay $0x7  }
0xca: {  	v41 =	vld.idx.msk [tilespmem:v0+s21+$0x0], $0xffff  }
0xcb: {  	v0 =	vld [tilespmem:$0x1FE10];
	_ =	sdelay $0x7  }
0xcc: {  	v37 =	vld.idx.msk [tilespmem:v0+s21+$0x0], $0xffff  }
0xcd: {  	v0 =	vld [tilespmem:$0x1FE20];
	_ =	sdelay $0x7  }
0xce: {  	v34 =	vld.idx.msk [tilespmem:v0+s21+$0x0], $0xffff  }
0xcf: {  	v0 =	vld [tilespmem:$0x1FE30];
	_ =	sdelay $0x7  }
0xd0: {  	v42 =	vld.idx.msk [tilespmem:v0+s21+$0x0], $0xffff  }
0xd1: {  	v0 =	vld [tilespmem:$0x1FE40];
	_ =	sdelay $0x7  }
0xd2: {  	v6 =	vld.idx.msk [tilespmem:v0+s21+$0x0], $0xffff  }
0xd3: {  	v0 =	vld [tilespmem:$0x1FE50];
	_ =	sdelay $0x7  }
0xd4: {  	v39 =	vld.idx.msk [tilespmem:v0+s21+$0x0], $0xffff  }
0xd5: {  	v0 =	vld [tilespmem:$0x1FE60];
	_ =	sdelay $0x7  }
0xd6: {  	v33 =	vld.idx.msk [tilespmem:v0+s21+$0x0], $0xffff  }
0xd7: {  	v0 =	vld [tilespmem:$0x1FE70];
	_ =	sdelay $0x7  }
0xd8: {  	v3 =	vld.idx.msk [tilespmem:v0+s21+$0x0], $0xffff  }
0xd9: {  	v0 =	vld [tilespmem:$0x1FE80];
	_ =	sdelay $0x7  }
0xda: {  	v8 =	vld.idx.msk [tilespmem:v0+s21+$0x0], $0xffff  }
0xdb: {  	v0 =	vld [tilespmem:$0x1FE90];
	_ =	sdelay $0x7  }
0xdc: {  	v35 =	vld.idx.msk [tilespmem:v0+s21+$0x0], $0xffff  }
0xdd: {  	v0 =	vld [tilespmem:$0x1FEA0];
	_ =	sdelay $0x7  }
0xde: {  	v2 =	vld.idx.msk [tilespmem:v0+s21+$0x0], $0xffff  }
0xdf: {  	v0 =	vld [tilespmem:$0x1FEB0];
	_ =	sdelay $0x7  }
0xe0: {  	v4 =	vld.idx.msk [tilespmem:v0+s21+$0x0], $0xffff  }
0xe1: {  	v0 =	vld [tilespmem:$0x1FEC0];
	_ =	sdelay $0x7  }
0xe2: {  	v36 =	vld.idx.msk [tilespmem:v0+s21+$0x0], $0xffff  }
0xe3: {  	v0 =	vld [tilespmem:$0x1FED0];
	_ =	sdelay $0x7  }
0xe4: {  	v38 =	vld.idx.msk [tilespmem:v0+s21+$0x0], $0xffff  }
0xe5: {  	v0 =	vld [tilespmem:$0x1FEE0];
	_ =	sdelay $0x7  }
0xe6: {  	v43 =	vld.idx.msk [tilespmem:v0+s21+$0x0], $0xffff  }
0xe7: {  	v0 =	vld [tilespmem:$0x1FEF0];
	_ =	sdelay $0x7  }
0xe8: {  	v15 =	vld.idx.msk [tilespmem:v0+s21+$0x0], $0xffff  }
0xe9: {  	v0 =	vld [tilespmem:$0x1FF00];
	_ =	sdelay $0x7  }
0xea: {  	v16 =	vld.idx.msk [tilespmem:v0+s21+$0x0], $0xffff  }
0xeb: {  	v0 =	vld [tilespmem:$0x1FF10];
	_ =	sdelay $0x7  }
0xec: {  	v40 =	vld.idx.msk [tilespmem:v0+s21+$0x0], $0xffff  }
0xed: {  	v0 =	vld [tilespmem:$0x1FF20];
	_ =	sdelay $0x7  }
0xee: {  	v14 =	vld.idx.msk [tilespmem:v0+s21+$0x0], $0xffff  }
0xef: {  	v0 =	vld [tilespmem:$0x1FF30];
	_ =	sdelay $0x7  }
0xf0: {  	v44 =	vld.idx.msk [tilespmem:v0+s21+$0x0], $0xffff  }
0xf1: {  	v0 =	vld [tilespmem:$0x1FF40];
	_ =	sdelay $0x7  }
0xf2: {  	v19 =	vld.idx.msk [tilespmem:v0+s21+$0x0], $0xffff  }
0xf3: {  	v0 =	vld [tilespmem:$0x1FF50];
	_ =	sdelay $0x6  }
0xf4: {  	s28 =	simm.s32 $0x5F  }
0xf5: {  	v20 =	vld.idx.msk [tilespmem:v0+s21+$0x0], $0xffff;
	v0 =	vadd.s32 s28, v26;
	_ =	sdelay $0x4  }
0xf6: {  	v12 =	vld.idx.msk [tilespmem:v0+s3+$0x0], $0xffff  }
0xf7: {  	v0 =	vld [tilespmem:$0x1FF80];
	_ =	sdelay $0x2  }
0xf8: {  	v1 =	vld [tilespmem:$0x1FF60];
	_ =	sdelay $0x1  }
0xf9: {  	v5 =	vld [tilespmem:$0x1FF70];
	_ =	sdelay $0x2  }
0xfa: {  	v23 =	vld.idx.msk [tilespmem:v0+s21+$0x0], $0xffff  }
0xfb: {  	v0 =	vld [tilespmem:$0x1FF90];
	_ =	sdelay $0x1  }
0xfc: {  	v13 =	vld.idx.msk [tilespmem:v1+s21+$0x0], $0xffff  }
0xfd: {  	v1 =	vld [tilespmem:$0x1FFB0]  }
0xfe: {  	v17 =	vld.idx.msk [tilespmem:v5+s21+$0x0], $0xffff  }
0xff: {  	v5 =	vld [tilespmem:$0x1FFA0];
	_ =	sdelay $0x2  }
0x100: {  	v22 =	vld.idx.msk [tilespmem:v0+s21+$0x0], $0xffff  }
0x101: {  	v0 =	vld [tilespmem:$0x1FFD0]  }
0x102: {  	v1 =	vadd.s32 s28, v1;
	_ =	sdelay $0x2  }
0x103: {  	v18 =	vld.idx.msk [tilespmem:v5+s21+$0x0], $0xffff  }
0x104: {  	v5 =	vld [tilespmem:$0x1FFC0]  }
0x105: {  	v11 =	vld.idx.msk [tilespmem:v1+s3+$0x0], $0xffff  }
0x106: {  	v1 =	vld [tilespmem:$0x1FFF0]  }
0x107: {  	v9 =	vld.idx.msk [tilespmem:v0+s21+$0x0], $0xffff  }
0x108: {  	v0 =	vld [tilespmem:$0x1FFE0];
	_ =	sdelay $0x4  }
0x109: {  	v10 =	vld.idx.msk [tilespmem:v5+s21+$0x0], $0xffff  }
0x10a: {  	s29 =	sand.u32 $0x6000, s21;
	s30 =	sand.u32 $0x380, s21;
	v46 =	vadd.f32 v11, v37;
	v5 =	vld.idx.msk [tilespmem:v1+s21+$0x0], $0xffff;
	v1 =	vadd.f32 v11, v45  }
0x10b: {  	s22 =	sor.u32 s30, s29;
	v31 =	vadd.f32 v11, v34;
	v24 =	vadd.f32 v12, v18  }
0x10c: {  	v25 =	vadd.f32 v11, v6;
	v47 =	vadd.f32 v11, v39;
	v7 =	vld.idx.msk [tilespmem:v0+s21+$0x0], $0xffff;
	[tilespmem:s22+$0x8090] =	vst v1  }
0x10d: {  	v32 =	vadd.f32 v11, v33;
	v26 =	vadd.f32 v11, v42;
	[tilespmem:s22+$0x98E0] =	vst v24  }
0x10e: {  	v27 =	vadd.f32 v11, v8;
	v0 =	vadd.f32 v12, v45;
	[tilespmem:s22+$0x84B0] =	vst v25  }
0x10f: {  	v29 =	vadd.f32 v11, v35;
	v24 =	vadd.f32 v11, v3;
	[tilespmem:s22+$0x8490] =	vst v26  }
0x110: {  	v30 =	vadd.f32 v11, v38;
	[tilespmem:s22+$0x8080] =	vst v0;
	v0 =	vadd.f32 v11, v2  }
0x111: {  	s25 =	simm.s32 $0x0;
	s17 =	sor.u32 $0x8000, s23;
	v28 =	vadd.f32 v11, v15;
	v1 =	vadd.f32 v11, v41;
	[tilespmem:s22+$0x8890] =	vst v24  }
0x112: {  	s31 =	sand.u32 $0x7, s21;
	s24 =	simm.s32 $0x5E;
	s18 =	sadd.s32 s6, s17;
	v48 =	vadd.f32 v11, v40;
	[tilespmem:s22+$0x88F0] =	vst v0;
	v0 =	vadd.f32 v11, v4  }
0x113: {  	s19 =	sshll.u32 s31, $0x7;
	s20 =	simm.s32 $0x0;
	s18 =	sshrl.u32 s18, $0x3;
	v21 =	vadd.f32 v12, v10;
	v26 =	vadd.f32 v11, v36;
	[tilespmem:s22+$0x80B0] =	vst v1  }
0x114: {  	s19 =	sadd.s32 $0x0, s19;
	s23 =	simm.s32 $0x80;
	s18 =	sadd.s32 s1, s18;
	v25 =	vadd.f32 v11, v43;
	v24 =	vadd.f32 v11, v16;
	[tilespmem:s22+$0x8C90] =	vst v0  }
.LBB2_5:
0x115: {  	[tilespmem:s22+$0x80D0] =	vst v46  }
0x116: {  	[tilespmem:s22+$0x84D0] =	vst v47  }
0x117: {  	[tilespmem:s22+$0x90D0] =	vst v48  }
0x118: {  	[tilespmem:s22+$0x84F0] =	vst v32  }
0x119: {  	[tilespmem:s22+$0x80F0] =	vst v31  }
0x11a: {  	[tilespmem:s22+$0x8CD0] =	vst v30  }
0x11b: {  	[tilespmem:s22+$0x88D0] =	vst v29  }
0x11c: {  	[tilespmem:s22+$0x88B0] =	vst v27  }
0x11d: {  	[tilespmem:s22+$0x8CB0] =	vst v26  }
0x11e: {  	[tilespmem:s22+$0x9090] =	vst v28  }
0x11f: {  	v61 =	vadd.f32 v11, v19;
	[tilespmem:s22+$0x8CF0] =	vst v25  }
0x120: {  	v1 =	vadd.f32 v11, v44;
	[tilespmem:s22+$0x90B0] =	vst v24  }
0x121: {  	v63 =	vadd.f32 v11, v23;
	[tilespmem:s22+$0x94B0] =	vst v61  }
0x122: {  	v51 =	vadd.f32 v12, v41;
	[tilespmem:s22+$0x9490] =	vst v1  }
0x123: {  	v53 =	vadd.f32 v12, v42;
	[tilespmem:s22+$0x98B0] =	vst v63  }
0x124: {  	v50 =	vadd.f32 v11, v22;
	[tilespmem:s22+$0x80A0] =	vst v51  }
0x125: {  	v62 =	vadd.f32 v11, v20;
	[tilespmem:s22+$0x8480] =	vst v53  }
0x126: {  	v56 =	vadd.f32 v12, v43;
	[tilespmem:s22+$0x98D0] =	vst v50  }
0x127: {  	v59 =	vadd.f32 v12, v44;
	[tilespmem:s22+$0x94D0] =	vst v62  }
0x128: {  	v60 =	vadd.f32 v12, v23;
	[tilespmem:s22+$0x8CE0] =	vst v56  }
0x129: {  	v52 =	vadd.f32 v12, v34;
	[tilespmem:s22+$0x9480] =	vst v59  }
0x12a: {  	v58 =	vadd.f32 v12, v16;
	[tilespmem:s22+$0x98A0] =	vst v60  }
0x12b: {  	v57 =	vadd.f32 v12, v15;
	[tilespmem:s22+$0x80E0] =	vst v52  }
0x12c: {  	v49 =	vadd.f32 v11, v17;
	[tilespmem:s22+$0x90A0] =	vst v58  }
0x12d: {  	v54 =	vadd.f32 v12, v33;
	[tilespmem:s22+$0x9080] =	vst v57  }
0x12e: {  	v0 =	vadd.f32 v11, v14;
	[tilespmem:s22+$0x9890] =	vst v49  }
0x12f: {  	v55 =	vadd.f32 v12, v4;
	[tilespmem:s22+$0x84E0] =	vst v54  }
0x130: {  	v30 =	vadd.f32 v12, v22;
	[tilespmem:s22+$0x90F0] =	vst v0  }
0x131: {  	v47 =	vadd.f32 v12, v19;
	[tilespmem:s22+$0x8C80] =	vst v55  }
0x132: {  	v46 =	vadd.f32 v11, v18;
	[tilespmem:s22+$0x98C0] =	vst v30  }
0x133: {  	v48 =	vadd.f32 v11, v13;
	[tilespmem:s22+$0x94A0] =	vst v47  }
0x134: {  	v32 =	vadd.f32 v12, v3;
	[tilespmem:s22+$0x98F0] =	vst v46  }
0x135: {  	v31 =	vadd.f32 v12, v2;
	[tilespmem:s22+$0x94F0] =	vst v48  }
0x136: {  	v56 =	vadd.f32 v12, v13;
	[tilespmem:s22+$0x8880] =	vst v32  }
0x137: {  	v62 =	vadd.f32 v12, v39;
	[tilespmem:s22+$0x88E0] =	vst v31  }
0x138: {  	v61 =	vadd.f32 v12, v37;
	[tilespmem:s22+$0x94E0] =	vst v56  }
0x139: {  	v60 =	vadd.f32 v12, v40;
	[tilespmem:s22+$0x84C0] =	vst v62  }
0x13a: {  	v63 =	vadd.f32 v12, v38;
	[tilespmem:s22+$0x80C0] =	vst v61  }
0x13b: {  	v59 =	vadd.f32 v12, v17;
	[tilespmem:s22+$0x90C0] =	vst v60  }
0x13c: {  	v50 =	vadd.f32 v12, v14;
	[tilespmem:s22+$0x8CC0] =	vst v63  }
0x13d: {  	v53 =	vadd.f32 v12, v36;
	[tilespmem:s22+$0x9880] =	vst v59  }
0x13e: {  	v1 =	vadd.f32 v12, v6;
	[tilespmem:s22+$0x90E0] =	vst v50  }
0x13f: {  	v51 =	vadd.f32 v12, v8;
	[tilespmem:s22+$0x8CA0] =	vst v53  }
0x140: {  	[tilespmem:s22+$0x84A0] =	vst v1  }
0x141: {  	s29 =	sor.u32 $0x1C00, s19;
	v62 =	vadd.f32 v12, v20;
	[tilespmem:s22+$0x88A0] =	vst v51  }
0x142: {  	v56 =	vadd.f32 v12, v35;
	[tilespmem:s29+$0x8080] =	vst v21  }
0x143: {  	v0 =	vadd.f32 v11, v10;
	[tilespmem:s22+$0x94C0] =	vst v62  }
0x144: {  	s31 =	sor.u32 $0x1C10, s19;
	v24 =	vld [tilespmem:$0x1FFB0];
	v1 =	vadd.f32 v12, v9;
	[tilespmem:s22+$0x88C0] =	vst v56  }
0x145: {  	s30 =	sor.u32 $0x1C20, s19;
	v21 =	vadd.f32 v11, v9;
	[tilespmem:s31+$0x8080] =	vst v0  }
0x146: {  	s31 =	sor.u32 $0x1C30, s19;
	v0 =	vadd.f32 v12, v7;
	[tilespmem:s30+$0x8080] =	vst v1  }
0x147: {  	s30 =	sor.u32 $0x1C40, s19;
	v1 =	vadd.f32 v11, v7;
	[tilespmem:s31+$0x8080] =	vst v21;
	v21 =	vlaneseq.u32  }
0x148: {  	v12 =	vadd.f32 v12, v5;
	s31 =	sor.u32 $0x1C50, s19;
	v21 =	vadd.s32 s24, v21;
	[tilespmem:s30+$0x8080] =	vst v0  }
0x149: {  	v24 =	vadd.s32 s24, v24;
	s30 =	sor.u32 $0x1C60, s19;
	v0 =	vadd.f32 v11, v5;
	[tilespmem:s31+$0x8080] =	vst v1  }
0x14a: {  	s26 =	smov.u32 s23;
	p1 =	sne.s32 s20, $0x780;
	s31 =	sor.u32 $0x1C70, s19;
	[tilespmem:s30+$0x8080] =	vst v12  }
0x14b: {  	s20 =	smov.u32 s26;
	s26 =	simm.s32 @!p1 $0x0;
	s29 =	simm.s32 @!p1 $0x8080;
	[tilespmem:s31+$0x8080] =	vst v0  }
0x14c: {  	[hbm4b:s18+s26] =	stream.linear.scatter @!p1 [tilespmem:s29], [sflag:$0x2], $0x4000, $0x38;
	[tilespmem:$0x10080] =	vst v63  }
0x14d: {  	v12 =	vld.idx.msk [tilespmem:v21+s3+$0x0], $0xffff  }
0x14e: {  	v11 =	vld.idx.msk [tilespmem:v24+s3+$0x0], $0xffff;
	_ =	sdelay $0x2  }
0x14f: {  	s21 =	sadd.s32 $0x400, s21  }
0x150: {  	s30 =	sand.u32 $0x6000, s21;
	s31 =	sand.u32 $0x380, s20;
	v0 =	vadd.f32 v12, v45;
	v21 =	vadd.f32 v12, v10  }
0x151: {  	s22 =	sor.u32 s31, s30;
	v1 =	vadd.f32 v11, v45;
	v24 =	vadd.f32 v12, v18  }
0x152: {  	v46 =	vadd.f32 v11, v37;
	v25 =	vadd.f32 v11, v6;
	[tilespmem:s22+$0x8080] =	vst v0  }
0x153: {  	v31 =	vadd.f32 v11, v34;
	v26 =	vadd.f32 v11, v42;
	[tilespmem:s22+$0x8090] =	vst v1  }
0x154: {  	s23 =	sadd.s32 $0x80, s23;
	v32 =	vadd.f32 v11, v33;
	v27 =	vadd.f32 v11, v8;
	[tilespmem:s22+$0x98E0] =	vst v24  }
0x155: {  	p0 =	sne.s32 s23, $0x1000;
	v29 =	vadd.f32 v11, v35;
	v0 =	vadd.f32 v11, v2;
	[tilespmem:s22+$0x84B0] =	vst v25  }
.Ltmp1:
0x156: {  	s25 =	sadd.s32 $0x1, s25;
	v47 =	vadd.f32 v11, v39;
	v24 =	vadd.f32 v11, v3;
	[tilespmem:s22+$0x8490] =	vst v26;
	(pc) =	sbr.rel @p0 .LBB2_5-.Ltmp1, $4  }
0x157: {  	s28 =	sand.u32 $0x7, s25;
	v30 =	vadd.f32 v11, v38;
	v1 =	vadd.f32 v11, v41;
	[tilespmem:s22+$0x88F0] =	vst v0  }
0x158: {  	s28 =	sshll.u32 s28, $0x7;
	v28 =	vadd.f32 v11, v15;
	v0 =	vadd.f32 v11, v4;
	[tilespmem:s22+$0x8890] =	vst v24  }
0x159: {  	s28 =	sadd.s32 s28, s21;
	v48 =	vadd.f32 v11, v40;
	v26 =	vadd.f32 v11, v36;
	[tilespmem:s22+$0x80B0] =	vst v1  }
0x15a: {  	s24 =	sadd.s32 $0xFFFFFFFF, s24;
	s19 =	smov.u32 s28;
	v25 =	vadd.f32 v11, v43;
	v24 =	vadd.f32 v11, v16;
	[tilespmem:s22+$0x8C90] =	vst v0  }
0x15b: {  	[tilespmem:s22+$0x80D0] =	vst v46  }
0x15c: {  	[tilespmem:s22+$0x84D0] =	vst v47  }
0x15d: {  	[tilespmem:s22+$0x90D0] =	vst v48  }
0x15e: {  	[tilespmem:s22+$0x84F0] =	vst v32  }
0x15f: {  	[tilespmem:s22+$0x80F0] =	vst v31  }
0x160: {  	[tilespmem:s22+$0x8CD0] =	vst v30  }
0x161: {  	[tilespmem:s22+$0x88D0] =	vst v29  }
0x162: {  	[tilespmem:s22+$0x88B0] =	vst v27  }
0x163: {  	[tilespmem:s22+$0x8CB0] =	vst v26  }
0x164: {  	[tilespmem:s22+$0x9090] =	vst v28  }
0x165: {  	v0 =	vadd.f32 v11, v19;
	[tilespmem:s22+$0x8CF0] =	vst v25  }
0x166: {  	v1 =	vadd.f32 v11, v44;
	[tilespmem:s22+$0x90B0] =	vst v24  }
0x167: {  	v57 =	vadd.f32 v11, v23;
	[tilespmem:s22+$0x94B0] =	vst v0  }
0x168: {  	v58 =	vadd.f32 v11, v20;
	[tilespmem:s22+$0x9490] =	vst v1  }
0x169: {  	v59 =	vadd.f32 v12, v39;
	[tilespmem:s22+$0x98B0] =	vst v57  }
0x16a: {  	v60 =	vadd.f32 v12, v37;
	[tilespmem:s22+$0x94D0] =	vst v58  }
0x16b: {  	v61 =	vadd.f32 v12, v17;
	[tilespmem:s22+$0x84C0] =	vst v59  }
0x16c: {  	v62 =	vadd.f32 v12, v36;
	[tilespmem:s22+$0x80C0] =	vst v60  }
0x16d: {  	v16 =	vadd.f32 v12, v16;
	[tilespmem:s22+$0x9880] =	vst v61  }
0x16e: {  	v63 =	vadd.f32 v11, v14;
	[tilespmem:s22+$0x8CA0] =	vst v62  }
0x16f: {  	v0 =	vadd.f32 v12, v41;
	[tilespmem:s22+$0x90A0] =	vst v16  }
0x170: {  	v1 =	vadd.f32 v12, v42;
	[tilespmem:s22+$0x90F0] =	vst v63  }
0x171: {  	[tilespmem:s22+$0x80A0] =	vst v0;
	v0 =	vadd.f32 v11, v22  }
0x172: {  	[tilespmem:s22+$0x8480] =	vst v1;
	v1 =	vadd.f32 v12, v43  }
0x173: {  	[tilespmem:s22+$0x98D0] =	vst v0;
	v0 =	vadd.f32 v12, v44  }
0x174: {  	[tilespmem:s22+$0x8CE0] =	vst v1;
	v1 =	vadd.f32 v12, v13  }
0x175: {  	[tilespmem:s22+$0x9480] =	vst v0;
	v0 =	vadd.f32 v12, v23  }
0x176: {  	[tilespmem:s22+$0x94E0] =	vst v1;
	v1 =	vadd.f32 v12, v22  }
0x177: {  	[tilespmem:s22+$0x98A0] =	vst v0;
	v0 =	vadd.f32 v12, v20  }
0x178: {  	[tilespmem:s22+$0x98C0] =	vst v1;
	v1 =	vadd.f32 v12, v38  }
0x179: {  	[tilespmem:s22+$0x94C0] =	vst v0;
	v0 =	vadd.f32 v12, v40  }
0x17a: {  	[tilespmem:s22+$0x8CC0] =	vst v1;
	v1 =	vadd.f32 v12, v14  }
0x17b: {  	[tilespmem:s22+$0x90C0] =	vst v0;
	v0 =	vadd.f32 v12, v19  }
0x17c: {  	[tilespmem:s22+$0x90E0] =	vst v1;
	v1 =	vadd.f32 v12, v35  }
0x17d: {  	[tilespmem:s22+$0x94A0] =	vst v0;
	v0 =	vadd.f32 v12, v34  }
0x17e: {  	[tilespmem:s22+$0x88C0] =	vst v1;
	v1 =	vadd.f32 v11, v18  }
0x17f: {  	[tilespmem:s22+$0x80E0] =	vst v0;
	v0 =	vadd.f32 v12, v15  }
0x180: {  	[tilespmem:s22+$0x98F0] =	vst v1;
	v1 =	vadd.f32 v12, v33  }
0x181: {  	[tilespmem:s22+$0x9080] =	vst v0;
	v0 =	vadd.f32 v11, v17  }
0x182: {  	[tilespmem:s22+$0x84E0] =	vst v1;
	v1 =	vadd.f32 v12, v8  }
0x183: {  	[tilespmem:s22+$0x9890] =	vst v0;
	v0 =	vadd.f32 v12, v6  }
0x184: {  	[tilespmem:s22+$0x88A0] =	vst v1;
	v1 =	vadd.f32 v12, v3  }
0x185: {  	[tilespmem:s22+$0x84A0] =	vst v0;
	v0 =	vadd.f32 v11, v13  }
0x186: {  	[tilespmem:s22+$0x8880] =	vst v1;
	v1 =	vadd.f32 v12, v2  }
0x187: {  	[tilespmem:s22+$0x94F0] =	vst v0;
	v0 =	vadd.f32 v12, v4  }
0x188: {  	[tilespmem:s22+$0x88E0] =	vst v1  }
0x189: {  	s21 =	sor.u32 $0x1C00, s19;
	[tilespmem:s22+$0x8C80] =	vst v0;
	v0 =	vadd.f32 v11, v10  }
0x18a: {  	s24 =	sor.u32 $0x1C10, s19;
	v1 =	vadd.f32 v12, v9;
	[tilespmem:s21+$0x8080] =	vst v21  }
0x18b: {  	s25 =	sor.u32 $0x1C20, s19;
	v2 =	vadd.f32 v11, v9;
	[tilespmem:s24+$0x8080] =	vst v0  }
0x18c: {  	s26 =	sor.u32 $0x1C30, s19;
	v0 =	vadd.f32 v12, v7;
	[tilespmem:s25+$0x8080] =	vst v1  }
0x18d: {  	s28 =	sor.u32 $0x1C40, s19;
	v1 =	vadd.f32 v11, v7;
	[tilespmem:s26+$0x8080] =	vst v2  }
0x18e: {  	s29 =	sor.u32 $0x1C50, s19;
	v2 =	vadd.f32 v12, v5;
	[tilespmem:s28+$0x8080] =	vst v0  }
0x18f: {  	s30 =	sor.u32 $0x1C60, s19;
	v0 =	vadd.f32 v11, v5;
	[tilespmem:s29+$0x8080] =	vst v1  }
0x190: {  	s31 =	sor.u32 $0x1C70, s19;
	p0 =	sne.s32 s20, $0x780;
	[tilespmem:s30+$0x8080] =	vst v2  }
0x191: {  	s16 =	sadd.s32 $0x1, s16;
	s20 =	simm.s32 @!p0 $0x0;
	s21 =	simm.s32 @!p0 $0x8080;
	[tilespmem:s31+$0x8080] =	vst v0  }
0x192: {  	[hbm4b:s18+s20] =	stream.linear.scatter @!p0 [tilespmem:s21], [sflag:$0x2], $0x4000, $0x38;
	[tilespmem:$0x10080] =	vst v63  }
0x193: {  	p0 =	sne.s32 s16, $0x8  }
.Ltmp2:
0x194: {  	_ = 	snop;
	(pc) =	sbr.rel @p0 .LBB2_2-.Ltmp2, $4  }
0x195: {  	s17 =	sadd.s32 s8, s17  }
0x196: {  	s17 =	sshrl.u32 s17, $0x3  }
0x197: {  	s17 =	sadd.s32 s1, s17  }
0x198: {  	v0 =	vlaneseq.u32;
	[hbm4b:s17+s3] =	stream.linear.scatter [tilespmem:s12], [sflag:$0x2], $0x4000, $0x38;
	[tilespmem:$0x10080] =	vst v63  }
0x199: {  	s15 =	sadd.s32 $0x1, s15  }
0x19a: {  	_ =	swait.ge [sflag:s13], $0x8000;
	p0 =	sne.s32 s15, s9  }
.Ltmp3:
0x19b: {  	[sflag:s13] =	ssyncset.done $0x0;
	(pc) =	sbr.rel @p0 .LBB2_1-.Ltmp3, $4  }
0x19c: {  	[sflag:s13] =	ssyncadd.s32 $0xFFFF8000  }
0x19d: {  	_ =	swait.ge [sflag:s14], $0x8000  }
0x19e: {  	[sflag:s14] =	ssyncset.done $0x0  }
0x19f: {  	[sflag:s14] =	ssyncadd.s32 $0xFFFF8000  }
0x1a0: {  	_ =	sfence.sel $0x180000  }
0x1a1: {  	[bflag:$0x0] =	sbarrier.arrive $0xFFFF  }
0x1a2: {  	p0 =	sne.s32 s2, $0x0;
	_ =	strace $0x90000047  }
0x1a3: {  	s0 =	sadd.s32 @!p0 $0x100000, s0;
	[bflag:$0x2] =	sbarrier.arrive $0xFFFF  }
0x1a4: {  	[sflag:s0] =	ssyncadd.tile.s32 @!p0 $0x1;
	_ =	shalt  }
.Lfunc_end2:
_tile_overlayer_lowered:
.L_overlay_start_2:
0x1a5: {  	(tag) =	ssettag $0x2  }
0x1a6: {  	s0 =	rddreg [dreg:$0x0];
	s2 =	stileid.u32  }
0x1a7: {  	s1 =	rddreg [dreg:$0x1];
	p0 =	sne.s32 s2, $0x0  }
0x1a8: {  	s3 =	rddreg [dreg:$0x2];
	[bflag:$0x3] =	sbarrier.arrive $0xFFFF;
	s2 =	simm.s32 @!p0 $0x1C03  }
0x1a9: {  	[timem:s3], [sflag:s2] =	dma.local @!p0 [hbm:s0], s1  }
0x1aa: {  	s0 =	simm.s32 @!p0 $0x3  }
0x1ab: {  	_ =	swait.ge @!p0 [sflag:s0], s1  }
0x1ac: {  	s1 =	ssub.s32 @!p0 $0x0, s1;
	[sflag:s0] =	ssyncset.done @!p0 $0x0  }
0x1ad: {  	[sflag:s0] =	ssyncadd.s32 @!p0 s1  }
0x1ae: {  	[bflag:$0x3] =	sbarrier.arrive $0xFFFF  }
0x1af: {  	_ =	shalt  }

</sc_bundles>
